<compile_context>
chip_gen: v7x
topology: tpu7x:2x2x1
jax: 0.10.2.dev20260603
libtpu: 0.0.44.dev20260713+nightly
codegen_flags: <defaults>
</compile_context>

<pallas_src>
import jax
import jax.numpy as jnp
from jax import lax
from jax.experimental import pallas as pl
from jax.experimental.pallas import tpu as pltpu
from jax.experimental.pallas import tpu_sc as plsc

NC, NS = 2, 16
NW = NC * NS
ROWS_PER_XFER = 128
NSLOT = 6
LAG = 5


def _tc_body(seqs_ref, cell_emb_ref, table_ref, w_ref, b_ref,
             cell_ref, comb_ref, idx_ref):
    bblk, L = seqs_ref.shape
    i = pl.program_id(0)

    cell = lax.dot_general(
        cell_emb_ref[...], w_ref[...],
        dimension_numbers=(((1,), (1,)), ((), ())),
        preferred_element_type=jnp.float32,
    ) + b_ref[...]
    cell_ref[...] = cell

    vocab = comb_ref.shape[1]
    comb_ref[...] = table_ref[:vocab][None, :, :] + cell[:, None, :]

    row = i * bblk + lax.broadcasted_iota(jnp.int32, (bblk, L), 0)
    idx_ref[...] = vocab * row + seqs_ref[...]


def _sc_body(comb_hbm, idx_hbm, out_hbm, idx_v, *bufsems):
    bufs = bufsems[:NSLOT]
    gsems = bufsems[NSLOT:2 * NSLOT]
    ssems = bufsems[2 * NSLOT:]
    wid = lax.axis_index("s") * NC + lax.axis_index("c")
    n_xfer = idx_hbm.shape[1]
    base = wid * n_xfer * ROWS_PER_XFER

    pltpu.sync_copy(idx_hbm.at[wid], idx_v)

    def scatter_wait(p, sem):
        pltpu.make_async_copy(
            bufs[p], out_hbm.at[pl.ds(base, ROWS_PER_XFER)], sem).wait()

    def round_(jj, carry):
        del carry
        j0 = jj * NSLOT
        for p in range(NSLOT):
            j = j0 + p
            @pl.when(j < n_xfer)
            def _(p=p, j=j):
                @pl.when(j >= NSLOT)
                def _():
                    scatter_wait(p, ssems[p])

                pltpu.async_copy(comb_hbm.at[idx_v.at[j]], bufs[p], gsems[p])

            t = j - LAG
            q = (p - LAG) % NSLOT

            @pl.when(jnp.logical_and(t >= 0, t < n_xfer))
            def _(q=q, t=t):
                pltpu.make_async_copy(
                    comb_hbm.at[idx_v.at[0]], bufs[q], gsems[q]).wait()
                pltpu.async_copy(
                    bufs[q],
                    out_hbm.at[pl.ds(base + t * ROWS_PER_XFER,
                                     ROWS_PER_XFER)],
                    ssems[q])

        return 0

    n_rounds = (n_xfer + LAG + NSLOT - 1) // NSLOT
    lax.fori_loop(0, n_rounds, round_, 0)

    for p in range(NSLOT):
        scatter_wait(p, ssems[p])


def kernel(seqs, cell_emb, table, W, b):
    B, L = seqs.shape
    vocab, emb = table.shape
    cin = cell_emb.shape[1]

    vpad = 8
    table_p = jnp.zeros((vpad, emb), jnp.float32).at[:vocab].set(table)
    b2 = b.reshape(1, emb)

    BBLK = 512
    cell, comb, idx = pl.pallas_call(
        _tc_body,
        grid=(B // BBLK,),
        in_specs=[
            pl.BlockSpec((BBLK, L), lambda i: (i, 0)),
            pl.BlockSpec((BBLK, cin), lambda i: (i, 0)),
            pl.BlockSpec((vpad, emb), lambda i: (0, 0)),
            pl.BlockSpec((emb, cin), lambda i: (0, 0)),
            pl.BlockSpec((1, emb), lambda i: (0, 0)),
        ],
        out_specs=[
            pl.BlockSpec((BBLK, emb), lambda i: (i, 0)),
            pl.BlockSpec((BBLK, vocab, emb), lambda i: (i, 0, 0)),
            pl.BlockSpec((BBLK, L), lambda i: (i, 0)),
        ],
        out_shape=[
            jax.ShapeDtypeStruct((B, emb), jnp.float32),
            jax.ShapeDtypeStruct((B, vocab, emb), jnp.float32),
            jax.ShapeDtypeStruct((B, L), jnp.int32),
        ],
    )(seqs, cell_emb, table_p, W, b2)

    comb_flat = comb.reshape(B * vocab, emb)
    tokens = B * L
    n_xfer = tokens // (NW * ROWS_PER_XFER)
    idx3 = idx.reshape(NW, n_xfer, ROWS_PER_XFER)

    mesh = plsc.VectorSubcoreMesh(core_axis_name="c", subcore_axis_name="s")
    total_flat = pl.kernel(
        _sc_body,
        out_type=jax.ShapeDtypeStruct((tokens, emb), jnp.float32),
        mesh=mesh,
        scratch_types=(
            [pltpu.VMEM((n_xfer, ROWS_PER_XFER), jnp.int32)]
            + [pltpu.VMEM((ROWS_PER_XFER, emb), jnp.float32)] * NSLOT
            + [pltpu.SemaphoreType.DMA] * (2 * NSLOT)
        ),
    )(comb_flat, idx3)

    return (total_flat.reshape(B, L, emb), cell)

# --- scband reference (transcript-rebuilt; emitter-appended) ---
"""Pipeline reference for scband-input-seq-cell-type-embedder-4681514352987 (READ-ONLY COPY).

The authoritative reference and input builder live on the scoring server;
editing this copy changes nothing except your own understanding.
"""

import jax, jax.numpy as jnp
import numpy as np


def setup_inputs(seed: int = 0) -> dict:
    key = jax.random.key(seed)
    k1, k2, k3, k4, k5 = jax.random.split(key, 5)
    B, L = 4096, 200
    vocab, emb, cin = 5, 128, 512
    seqs = jax.random.randint(k1, (B, L), 0, vocab)
    cell_emb = jax.random.normal(k2, (B, cin), dtype=jnp.float32)
    table = jax.random.normal(k3, (vocab, emb), dtype=jnp.float32)
    # padding_idx = vocab_size - 1 (masking=False): that row is zero in torch
    table = table.at[vocab - 1].set(0.0)
    W = jax.random.normal(k4, (emb, cin), dtype=jnp.float32) * (1.0 / np.sqrt(cin))
    b = jax.random.normal(k5, (emb,), dtype=jnp.float32) * 0.01
    return {"seqs": seqs, "cell_emb": cell_emb, "table": table, "W": W, "b": b}


def reference(seqs, cell_emb, table, W, b):
    # seq_emb = self.vocab_emb(seqs)
    seq_emb = jnp.take(table, seqs, axis=0)          # [B, L, emb]
    # cell_emb = self.proj_layer(cell_emb)
    cell = cell_emb @ W.T + b                        # [B, emb]
    # total_emb = seq_emb + cell_emb.unsqueeze(1)
    total_emb = seq_emb + cell[:, None, :]           # [B, L, emb]
    return (total_emb, cell)

if __name__ == "__main__":
    import jax
    _d = setup_inputs()
    print(jax.jit(kernel)(*tuple(_d.values())))

</pallas_src>

<mosaic_0001>
#map = affine_map<(d0, d1) -> (0, 0)>
#map1 = affine_map<(d0, d1) -> (0, 0, 0)>
module attributes {stable_mosaic.version = 14 : i64} {
  func.func @_sc_body(%arg0: i32, %arg1: i32, %arg2: memref<20480x128xf32, #tpu.memory_space<hbm>>, %arg3: memref<32x200x128xi32, #tpu.memory_space<hbm>>, %arg4: memref<819200x128xf32, #tpu.memory_space<hbm>>, %arg5: memref<200x128xi32, #tpu.memory_space<vmem>>, %arg6: memref<128x128xf32, #tpu.memory_space<vmem>>, %arg7: memref<128x128xf32, #tpu.memory_space<vmem>>, %arg8: memref<128x128xf32, #tpu.memory_space<vmem>>, %arg9: memref<128x128xf32, #tpu.memory_space<vmem>>, %arg10: memref<128x128xf32, #tpu.memory_space<vmem>>, %arg11: memref<128x128xf32, #tpu.memory_space<vmem>>, %arg12: memref<!tpu.dma_semaphore, #tpu.memory_space<semaphore_mem>>, %arg13: memref<!tpu.dma_semaphore, #tpu.memory_space<semaphore_mem>>, %arg14: memref<!tpu.dma_semaphore, #tpu.memory_space<semaphore_mem>>, %arg15: memref<!tpu.dma_semaphore, #tpu.memory_space<semaphore_mem>>, %arg16: memref<!tpu.dma_semaphore, #tpu.memory_space<semaphore_mem>>, %arg17: memref<!tpu.dma_semaphore, #tpu.memory_space<semaphore_mem>>, %arg18: memref<!tpu.dma_semaphore, #tpu.memory_space<semaphore_mem>>, %arg19: memref<!tpu.dma_semaphore, #tpu.memory_space<semaphore_mem>>, %arg20: memref<!tpu.dma_semaphore, #tpu.memory_space<semaphore_mem>>, %arg21: memref<!tpu.dma_semaphore, #tpu.memory_space<semaphore_mem>>, %arg22: memref<!tpu.dma_semaphore, #tpu.memory_space<semaphore_mem>>, %arg23: memref<!tpu.dma_semaphore, #tpu.memory_space<semaphore_mem>>) attributes {dimension_semantics = [#tpu.dimension_semantics<core_parallel>, #tpu.dimension_semantics<subcore_parallel>], iteration_bounds = array<i64: 2, 16>, scalar_prefetch = 0 : i64, scratch_operands = 19 : i64, tpu.core_type = #tpu.core_type<sc_vector_subcore>, window_params = [{transform_indices = #map}, {transform_indices = #map1}, {transform_indices = #map}]} {
    %mul3A = arith.constant 2 : i32
    %mul3A_0 = arith.muli %arg1, %mul3A : i32
    %add3A = arith.addi %mul3A_0, %arg0 : i32
    %mul3A_1 = arith.constant 200 : i32
    %mul3A_2 = arith.muli %add3A, %mul3A_1 : i32
    %mul3A_3 = arith.constant 128 : i32
    %mul3A_4 = arith.muli %mul3A_2, %mul3A_3 : i32
    "tpu.region"() ({
      %run_scoped3A = tpu.sem_alloc : memref<!tpu.dma_semaphore, #tpu.memory_space<semaphore_mem>>
      %dma_start3A = arith.constant 0 : i32
      %dma_start3A_34 = arith.constant 0 : i32
      %dma_start3A_35 = tpu.memref_slice %arg3[%add3A, %dma_start3A, %dma_start3A_34] : memref<32x200x128xi32, #tpu.memory_space<hbm>> -> memref<1x200x128xi32, #tpu.memory_space<hbm>>
      %dma_start3A_36 = tpu.memref_squeeze %dma_start3A_35 : memref<1x200x128xi32, #tpu.memory_space<hbm>> -> memref<200x128xi32, #tpu.memory_space<hbm>>
      %dma_start3A_37 = arith.constant 0 : i32
      %dma_start3A_38 = arith.constant 0 : i32
      %dma_start3A_39 = tpu.memref_slice %arg3[%add3A, %dma_start3A_37, %dma_start3A_38] : memref<32x200x128xi32, #tpu.memory_space<hbm>> -> memref<1x200x128xi32, #tpu.memory_space<hbm>>
      %dma_start3A_40 = tpu.memref_squeeze %dma_start3A_39 : memref<1x200x128xi32, #tpu.memory_space<hbm>> -> memref<200x128xi32, #tpu.memory_space<hbm>>
      tpu.enqueue_dma source(%dma_start3A_40 : memref<200x128xi32, #tpu.memory_space<hbm>>) target(%arg5 : memref<200x128xi32, #tpu.memory_space<vmem>>) target_semaphore(%run_scoped3A : memref<!tpu.dma_semaphore, #tpu.memory_space<semaphore_mem>>)
      %dma_wait3A_41 = arith.constant 0 : i32
      %dma_wait3A_42 = arith.constant 0 : i32
      %dma_wait3A_43 = tpu.memref_slice %arg3[%add3A, %dma_wait3A_41, %dma_wait3A_42] : memref<32x200x128xi32, #tpu.memory_space<hbm>> -> memref<1x200x128xi32, #tpu.memory_space<hbm>>
      %dma_wait3A_44 = tpu.memref_squeeze %dma_wait3A_43 : memref<1x200x128xi32, #tpu.memory_space<hbm>> -> memref<200x128xi32, #tpu.memory_space<hbm>>
      %dma_wait3A_45 = arith.constant 0 : i32
      %dma_wait3A_46 = arith.constant 0 : i32
      %dma_wait3A_47 = tpu.memref_slice %arg3[%add3A, %dma_wait3A_45, %dma_wait3A_46] : memref<32x200x128xi32, #tpu.memory_space<hbm>> -> memref<1x200x128xi32, #tpu.memory_space<hbm>>
      %dma_wait3A_48 = tpu.memref_squeeze %dma_wait3A_47 : memref<1x200x128xi32, #tpu.memory_space<hbm>> -> memref<200x128xi32, #tpu.memory_space<hbm>>
      tpu.wait_dma2 semaphore(%run_scoped3A : memref<!tpu.dma_semaphore, #tpu.memory_space<semaphore_mem>>) src(%dma_wait3A_48 : memref<200x128xi32, #tpu.memory_space<hbm>>) dst(%arg5 : memref<200x128xi32, #tpu.memory_space<vmem>>)
      tpu.yield
    }) : () -> ()
    %scan3A = arith.constant 0 : i32
    %scan3A_5 = arith.constant 0 : i32
    %scan3A_6 = arith.constant 35 : i32
    %scan3A_7 = arith.addi %scan3A_5, %scan3A_6 : i32
    %scan3A_8 = arith.constant 1 : i32
    %scan3A_9 = scf.for %scan3A_34 = %scan3A_5 to %scan3A_7 step %scan3A_8 iter_args(%scan3A_35 = %scan3A) -> (i32)  : i32 {
      %mul3A_36 = arith.constant 6 : i32
      %mul3A_37 = arith.muli %scan3A_34, %mul3A_36 : i32
      %add3A_38 = arith.constant 0 : i32
      %add3A_39 = arith.addi %mul3A_37, %add3A_38 : i32
      %lt3A = arith.constant 200 : i32
      %lt3A_40 = arith.cmpi slt, %add3A_39, %lt3A : i32
      %convert_element_type3A = arith.extui %lt3A_40 : i1 to i32
      %cond3A = arith.constant 0 : i32
      %cond3A_41 = arith.cmpi ne, %convert_element_type3A, %cond3A : i32
      scf.if %cond3A_41 {
        %ge3A_135 = arith.constant 6 : i32
        %ge3A_136 = arith.cmpi sge, %add3A_39, %ge3A_135 : i32
        %convert_element_type3A_137 = arith.extui %ge3A_136 : i1 to i32
        %cond3A_138 = arith.constant 0 : i32
        %cond3A_139 = arith.cmpi ne, %convert_element_type3A_137, %cond3A_138 : i32
        scf.if %cond3A_139 {
          %dma_wait3A_145 = arith.constant 0 : i32
          %dma_wait3A_146 = tpu.memref_slice %arg4[%mul3A_4, %dma_wait3A_145] : memref<819200x128xf32, #tpu.memory_space<hbm>> -> memref<128x128xf32, #tpu.memory_space<hbm>>
          %dma_wait3A_147 = arith.constant 0 : i32
          %dma_wait3A_148 = tpu.memref_slice %arg4[%mul3A_4, %dma_wait3A_147] : memref<819200x128xf32, #tpu.memory_space<hbm>> -> memref<128x128xf32, #tpu.memory_space<hbm>>
          tpu.wait_dma2 semaphore(%arg18 : memref<!tpu.dma_semaphore, #tpu.memory_space<semaphore_mem>>) src(%arg6 : memref<128x128xf32, #tpu.memory_space<vmem>>) dst(%dma_wait3A_148 : memref<128x128xf32, #tpu.memory_space<hbm>>)
        } else {
        }
        %dma_start3A = arith.constant 0 : i32
        %dma_start3A_140 = tpu.memref_slice %arg5[%add3A_39, %dma_start3A] : memref<200x128xi32, #tpu.memory_space<vmem>> -> memref<1x128xi32, #tpu.memory_space<vmem>>
        %dma_start3A_141 = tpu.memref_squeeze %dma_start3A_140 : memref<1x128xi32, #tpu.memory_space<vmem>> -> memref<128xi32, #tpu.memory_space<vmem>>
        %dma_start3A_142 = arith.constant 0 : i32
        %dma_start3A_143 = arith.constant 0 : i32
        %dma_start3A_144 = tpu.memref_slice %arg2[%dma_start3A_142, %dma_start3A_143] : memref<20480x128xf32, #tpu.memory_space<hbm>> -> memref<20480x128xf32, #tpu.memory_space<hbm>>
        tpu.enqueue_indirect_dma source(%dma_start3A_144 : memref<20480x128xf32, #tpu.memory_space<hbm>>) target(%arg6 : memref<128x128xf32, #tpu.memory_space<vmem>>) offsets(%dma_start3A_141 : memref<128xi32, #tpu.memory_space<vmem>>) semaphore(%arg12 : memref<!tpu.dma_semaphore, #tpu.memory_space<semaphore_mem>>)
      } else {
      }
      %sub3A = arith.constant 5 : i32
      %sub3A_42 = arith.subi %add3A_39, %sub3A : i32
      %ge3A = arith.constant 0 : i32
      %ge3A_43 = arith.cmpi sge, %sub3A_42, %ge3A : i32
      %lt3A_44 = arith.constant 200 : i32
      %lt3A_45 = arith.cmpi slt, %sub3A_42, %lt3A_44 : i32
      %and3A = arith.andi %ge3A_43, %lt3A_45 : i1
      %convert_element_type3A_46 = arith.extui %and3A : i1 to i32
      %cond3A_47 = arith.constant 0 : i32
      %cond3A_48 = arith.cmpi ne, %convert_element_type3A_46, %cond3A_47 : i32
      scf.if %cond3A_48 {
        %dma_wait3A_135 = arith.constant 0 : i32
        %dma_wait3A_136 = arith.constant 0 : i32
        %dma_wait3A_137 = tpu.memref_slice %arg5[%dma_wait3A_135, %dma_wait3A_136] : memref<200x128xi32, #tpu.memory_space<vmem>> -> memref<1x128xi32, #tpu.memory_space<vmem>>
        %dma_wait3A_138 = tpu.memref_squeeze %dma_wait3A_137 : memref<1x128xi32, #tpu.memory_space<vmem>> -> memref<128xi32, #tpu.memory_space<vmem>>
        %dma_wait3A_139 = arith.constant 0 : i32
        %dma_wait3A_140 = arith.constant 0 : i32
        %dma_wait3A_141 = tpu.memref_slice %arg2[%dma_wait3A_139, %dma_wait3A_140] : memref<20480x128xf32, #tpu.memory_space<hbm>> -> memref<20480x128xf32, #tpu.memory_space<hbm>>
        tpu.wait_indirect_dma semaphore(%arg13 : memref<!tpu.dma_semaphore, #tpu.memory_space<semaphore_mem>>) src(%dma_wait3A_141 : memref<20480x128xf32, #tpu.memory_space<hbm>>) dst(%arg7 : memref<128x128xf32, #tpu.memory_space<vmem>>)
        %mul3A_142 = arith.constant 128 : i32
        %mul3A_143 = arith.muli %sub3A_42, %mul3A_142 : i32
        %add3A_144 = arith.addi %mul3A_4, %mul3A_143 : i32
        %dma_start3A = arith.constant 0 : i32
        %dma_start3A_145 = tpu.memref_slice %arg4[%add3A_144, %dma_start3A] : memref<819200x128xf32, #tpu.memory_space<hbm>> -> memref<128x128xf32, #tpu.memory_space<hbm>>
        %dma_start3A_146 = arith.constant 0 : i32
        %dma_start3A_147 = tpu.memref_slice %arg4[%add3A_144, %dma_start3A_146] : memref<819200x128xf32, #tpu.memory_space<hbm>> -> memref<128x128xf32, #tpu.memory_space<hbm>>
        tpu.enqueue_dma source(%arg7 : memref<128x128xf32, #tpu.memory_space<vmem>>) target(%dma_start3A_147 : memref<128x128xf32, #tpu.memory_space<hbm>>) target_semaphore(%arg19 : memref<!tpu.dma_semaphore, #tpu.memory_space<semaphore_mem>>)
      } else {
      }
      %add3A_49 = arith.constant 1 : i32
      %add3A_50 = arith.addi %mul3A_37, %add3A_49 : i32
      %lt3A_51 = arith.constant 200 : i32
      %lt3A_52 = arith.cmpi slt, %add3A_50, %lt3A_51 : i32
      %convert_element_type3A_53 = arith.extui %lt3A_52 : i1 to i32
      %cond3A_54 = arith.constant 0 : i32
      %cond3A_55 = arith.cmpi ne, %convert_element_type3A_53, %cond3A_54 : i32
      scf.if %cond3A_55 {
        %ge3A_135 = arith.constant 6 : i32
        %ge3A_136 = arith.cmpi sge, %add3A_50, %ge3A_135 : i32
        %convert_element_type3A_137 = arith.extui %ge3A_136 : i1 to i32
        %cond3A_138 = arith.constant 0 : i32
        %cond3A_139 = arith.cmpi ne, %convert_element_type3A_137, %cond3A_138 : i32
        scf.if %cond3A_139 {
          %dma_wait3A_145 = arith.constant 0 : i32
          %dma_wait3A_146 = tpu.memref_slice %arg4[%mul3A_4, %dma_wait3A_145] : memref<819200x128xf32, #tpu.memory_space<hbm>> -> memref<128x128xf32, #tpu.memory_space<hbm>>
          %dma_wait3A_147 = arith.constant 0 : i32
          %dma_wait3A_148 = tpu.memref_slice %arg4[%mul3A_4, %dma_wait3A_147] : memref<819200x128xf32, #tpu.memory_space<hbm>> -> memref<128x128xf32, #tpu.memory_space<hbm>>
          tpu.wait_dma2 semaphore(%arg19 : memref<!tpu.dma_semaphore, #tpu.memory_space<semaphore_mem>>) src(%arg7 : memref<128x128xf32, #tpu.memory_space<vmem>>) dst(%dma_wait3A_148 : memref<128x128xf32, #tpu.memory_space<hbm>>)
        } else {
        }
        %dma_start3A = arith.constant 0 : i32
        %dma_start3A_140 = tpu.memref_slice %arg5[%add3A_50, %dma_start3A] : memref<200x128xi32, #tpu.memory_space<vmem>> -> memref<1x128xi32, #tpu.memory_space<vmem>>
        %dma_start3A_141 = tpu.memref_squeeze %dma_start3A_140 : memref<1x128xi32, #tpu.memory_space<vmem>> -> memref<128xi32, #tpu.memory_space<vmem>>
        %dma_start3A_142 = arith.constant 0 : i32
        %dma_start3A_143 = arith.constant 0 : i32
        %dma_start3A_144 = tpu.memref_slice %arg2[%dma_start3A_142, %dma_start3A_143] : memref<20480x128xf32, #tpu.memory_space<hbm>> -> memref<20480x128xf32, #tpu.memory_space<hbm>>
        tpu.enqueue_indirect_dma source(%dma_start3A_144 : memref<20480x128xf32, #tpu.memory_space<hbm>>) target(%arg7 : memref<128x128xf32, #tpu.memory_space<vmem>>) offsets(%dma_start3A_141 : memref<128xi32, #tpu.memory_space<vmem>>) semaphore(%arg13 : memref<!tpu.dma_semaphore, #tpu.memory_space<semaphore_mem>>)
      } else {
      }
      %sub3A_56 = arith.constant 5 : i32
      %sub3A_57 = arith.subi %add3A_50, %sub3A_56 : i32
      %ge3A_58 = arith.constant 0 : i32
      %ge3A_59 = arith.cmpi sge, %sub3A_57, %ge3A_58 : i32
      %lt3A_60 = arith.constant 200 : i32
      %lt3A_61 = arith.cmpi slt, %sub3A_57, %lt3A_60 : i32
      %and3A_62 = arith.andi %ge3A_59, %lt3A_61 : i1
      %convert_element_type3A_63 = arith.extui %and3A_62 : i1 to i32
      %cond3A_64 = arith.constant 0 : i32
      %cond3A_65 = arith.cmpi ne, %convert_element_type3A_63, %cond3A_64 : i32
      scf.if %cond3A_65 {
        %dma_wait3A_135 = arith.constant 0 : i32
        %dma_wait3A_136 = arith.constant 0 : i32
        %dma_wait3A_137 = tpu.memref_slice %arg5[%dma_wait3A_135, %dma_wait3A_136] : memref<200x128xi32, #tpu.memory_space<vmem>> -> memref<1x128xi32, #tpu.memory_space<vmem>>
        %dma_wait3A_138 = tpu.memref_squeeze %dma_wait3A_137 : memref<1x128xi32, #tpu.memory_space<vmem>> -> memref<128xi32, #tpu.memory_space<vmem>>
        %dma_wait3A_139 = arith.constant 0 : i32
        %dma_wait3A_140 = arith.constant 0 : i32
        %dma_wait3A_141 = tpu.memref_slice %arg2[%dma_wait3A_139, %dma_wait3A_140] : memref<20480x128xf32, #tpu.memory_space<hbm>> -> memref<20480x128xf32, #tpu.memory_space<hbm>>
        tpu.wait_indirect_dma semaphore(%arg14 : memref<!tpu.dma_semaphore, #tpu.memory_space<semaphore_mem>>) src(%dma_wait3A_141 : memref<20480x128xf32, #tpu.memory_space<hbm>>) dst(%arg8 : memref<128x128xf32, #tpu.memory_space<vmem>>)
        %mul3A_142 = arith.constant 128 : i32
        %mul3A_143 = arith.muli %sub3A_57, %mul3A_142 : i32
        %add3A_144 = arith.addi %mul3A_4, %mul3A_143 : i32
        %dma_start3A = arith.constant 0 : i32
        %dma_start3A_145 = tpu.memref_slice %arg4[%add3A_144, %dma_start3A] : memref<819200x128xf32, #tpu.memory_space<hbm>> -> memref<128x128xf32, #tpu.memory_space<hbm>>
        %dma_start3A_146 = arith.constant 0 : i32
        %dma_start3A_147 = tpu.memref_slice %arg4[%add3A_144, %dma_start3A_146] : memref<819200x128xf32, #tpu.memory_space<hbm>> -> memref<128x128xf32, #tpu.memory_space<hbm>>
        tpu.enqueue_dma source(%arg8 : memref<128x128xf32, #tpu.memory_space<vmem>>) target(%dma_start3A_147 : memref<128x128xf32, #tpu.memory_space<hbm>>) target_semaphore(%arg20 : memref<!tpu.dma_semaphore, #tpu.memory_space<semaphore_mem>>)
      } else {
      }
      %add3A_66 = arith.constant 2 : i32
      %add3A_67 = arith.addi %mul3A_37, %add3A_66 : i32
      %lt3A_68 = arith.constant 200 : i32
      %lt3A_69 = arith.cmpi slt, %add3A_67, %lt3A_68 : i32
      %convert_element_type3A_70 = arith.extui %lt3A_69 : i1 to i32
      %cond3A_71 = arith.constant 0 : i32
      %cond3A_72 = arith.cmpi ne, %convert_element_type3A_70, %cond3A_71 : i32
      scf.if %cond3A_72 {
        %ge3A_135 = arith.constant 6 : i32
        %ge3A_136 = arith.cmpi sge, %add3A_67, %ge3A_135 : i32
        %convert_element_type3A_137 = arith.extui %ge3A_136 : i1 to i32
        %cond3A_138 = arith.constant 0 : i32
        %cond3A_139 = arith.cmpi ne, %convert_element_type3A_137, %cond3A_138 : i32
        scf.if %cond3A_139 {
          %dma_wait3A_145 = arith.constant 0 : i32
          %dma_wait3A_146 = tpu.memref_slice %arg4[%mul3A_4, %dma_wait3A_145] : memref<819200x128xf32, #tpu.memory_space<hbm>> -> memref<128x128xf32, #tpu.memory_space<hbm>>
          %dma_wait3A_147 = arith.constant 0 : i32
          %dma_wait3A_148 = tpu.memref_slice %arg4[%mul3A_4, %dma_wait3A_147] : memref<819200x128xf32, #tpu.memory_space<hbm>> -> memref<128x128xf32, #tpu.memory_space<hbm>>
          tpu.wait_dma2 semaphore(%arg20 : memref<!tpu.dma_semaphore, #tpu.memory_space<semaphore_mem>>) src(%arg8 : memref<128x128xf32, #tpu.memory_space<vmem>>) dst(%dma_wait3A_148 : memref<128x128xf32, #tpu.memory_space<hbm>>)
        } else {
        }
        %dma_start3A = arith.constant 0 : i32
        %dma_start3A_140 = tpu.memref_slice %arg5[%add3A_67, %dma_start3A] : memref<200x128xi32, #tpu.memory_space<vmem>> -> memref<1x128xi32, #tpu.memory_space<vmem>>
        %dma_start3A_141 = tpu.memref_squeeze %dma_start3A_140 : memref<1x128xi32, #tpu.memory_space<vmem>> -> memref<128xi32, #tpu.memory_space<vmem>>
        %dma_start3A_142 = arith.constant 0 : i32
        %dma_start3A_143 = arith.constant 0 : i32
        %dma_start3A_144 = tpu.memref_slice %arg2[%dma_start3A_142, %dma_start3A_143] : memref<20480x128xf32, #tpu.memory_space<hbm>> -> memref<20480x128xf32, #tpu.memory_space<hbm>>
        tpu.enqueue_indirect_dma source(%dma_start3A_144 : memref<20480x128xf32, #tpu.memory_space<hbm>>) target(%arg8 : memref<128x128xf32, #tpu.memory_space<vmem>>) offsets(%dma_start3A_141 : memref<128xi32, #tpu.memory_space<vmem>>) semaphore(%arg14 : memref<!tpu.dma_semaphore, #tpu.memory_space<semaphore_mem>>)
      } else {
      }
      %sub3A_73 = arith.constant 5 : i32
      %sub3A_74 = arith.subi %add3A_67, %sub3A_73 : i32
      %ge3A_75 = arith.constant 0 : i32
      %ge3A_76 = arith.cmpi sge, %sub3A_74, %ge3A_75 : i32
      %lt3A_77 = arith.constant 200 : i32
      %lt3A_78 = arith.cmpi slt, %sub3A_74, %lt3A_77 : i32
      %and3A_79 = arith.andi %ge3A_76, %lt3A_78 : i1
      %convert_element_type3A_80 = arith.extui %and3A_79 : i1 to i32
      %cond3A_81 = arith.constant 0 : i32
      %cond3A_82 = arith.cmpi ne, %convert_element_type3A_80, %cond3A_81 : i32
      scf.if %cond3A_82 {
        %dma_wait3A_135 = arith.constant 0 : i32
        %dma_wait3A_136 = arith.constant 0 : i32
        %dma_wait3A_137 = tpu.memref_slice %arg5[%dma_wait3A_135, %dma_wait3A_136] : memref<200x128xi32, #tpu.memory_space<vmem>> -> memref<1x128xi32, #tpu.memory_space<vmem>>
        %dma_wait3A_138 = tpu.memref_squeeze %dma_wait3A_137 : memref<1x128xi32, #tpu.memory_space<vmem>> -> memref<128xi32, #tpu.memory_space<vmem>>
        %dma_wait3A_139 = arith.constant 0 : i32
        %dma_wait3A_140 = arith.constant 0 : i32
        %dma_wait3A_141 = tpu.memref_slice %arg2[%dma_wait3A_139, %dma_wait3A_140] : memref<20480x128xf32, #tpu.memory_space<hbm>> -> memref<20480x128xf32, #tpu.memory_space<hbm>>
        tpu.wait_indirect_dma semaphore(%arg15 : memref<!tpu.dma_semaphore, #tpu.memory_space<semaphore_mem>>) src(%dma_wait3A_141 : memref<20480x128xf32, #tpu.memory_space<hbm>>) dst(%arg9 : memref<128x128xf32, #tpu.memory_space<vmem>>)
        %mul3A_142 = arith.constant 128 : i32
        %mul3A_143 = arith.muli %sub3A_74, %mul3A_142 : i32
        %add3A_144 = arith.addi %mul3A_4, %mul3A_143 : i32
        %dma_start3A = arith.constant 0 : i32
        %dma_start3A_145 = tpu.memref_slice %arg4[%add3A_144, %dma_start3A] : memref<819200x128xf32, #tpu.memory_space<hbm>> -> memref<128x128xf32, #tpu.memory_space<hbm>>
        %dma_start3A_146 = arith.constant 0 : i32
        %dma_start3A_147 = tpu.memref_slice %arg4[%add3A_144, %dma_start3A_146] : memref<819200x128xf32, #tpu.memory_space<hbm>> -> memref<128x128xf32, #tpu.memory_space<hbm>>
        tpu.enqueue_dma source(%arg9 : memref<128x128xf32, #tpu.memory_space<vmem>>) target(%dma_start3A_147 : memref<128x128xf32, #tpu.memory_space<hbm>>) target_semaphore(%arg21 : memref<!tpu.dma_semaphore, #tpu.memory_space<semaphore_mem>>)
      } else {
      }
      %add3A_83 = arith.constant 3 : i32
      %add3A_84 = arith.addi %mul3A_37, %add3A_83 : i32
      %lt3A_85 = arith.constant 200 : i32
      %lt3A_86 = arith.cmpi slt, %add3A_84, %lt3A_85 : i32
      %convert_element_type3A_87 = arith.extui %lt3A_86 : i1 to i32
      %cond3A_88 = arith.constant 0 : i32
      %cond3A_89 = arith.cmpi ne, %convert_element_type3A_87, %cond3A_88 : i32
      scf.if %cond3A_89 {
        %ge3A_135 = arith.constant 6 : i32
        %ge3A_136 = arith.cmpi sge, %add3A_84, %ge3A_135 : i32
        %convert_element_type3A_137 = arith.extui %ge3A_136 : i1 to i32
        %cond3A_138 = arith.constant 0 : i32
        %cond3A_139 = arith.cmpi ne, %convert_element_type3A_137, %cond3A_138 : i32
        scf.if %cond3A_139 {
          %dma_wait3A_145 = arith.constant 0 : i32
          %dma_wait3A_146 = tpu.memref_slice %arg4[%mul3A_4, %dma_wait3A_145] : memref<819200x128xf32, #tpu.memory_space<hbm>> -> memref<128x128xf32, #tpu.memory_space<hbm>>
          %dma_wait3A_147 = arith.constant 0 : i32
          %dma_wait3A_148 = tpu.memref_slice %arg4[%mul3A_4, %dma_wait3A_147] : memref<819200x128xf32, #tpu.memory_space<hbm>> -> memref<128x128xf32, #tpu.memory_space<hbm>>
          tpu.wait_dma2 semaphore(%arg21 : memref<!tpu.dma_semaphore, #tpu.memory_space<semaphore_mem>>) src(%arg9 : memref<128x128xf32, #tpu.memory_space<vmem>>) dst(%dma_wait3A_148 : memref<128x128xf32, #tpu.memory_space<hbm>>)
        } else {
        }
        %dma_start3A = arith.constant 0 : i32
        %dma_start3A_140 = tpu.memref_slice %arg5[%add3A_84, %dma_start3A] : memref<200x128xi32, #tpu.memory_space<vmem>> -> memref<1x128xi32, #tpu.memory_space<vmem>>
        %dma_start3A_141 = tpu.memref_squeeze %dma_start3A_140 : memref<1x128xi32, #tpu.memory_space<vmem>> -> memref<128xi32, #tpu.memory_space<vmem>>
        %dma_start3A_142 = arith.constant 0 : i32
        %dma_start3A_143 = arith.constant 0 : i32
        %dma_start3A_144 = tpu.memref_slice %arg2[%dma_start3A_142, %dma_start3A_143] : memref<20480x128xf32, #tpu.memory_space<hbm>> -> memref<20480x128xf32, #tpu.memory_space<hbm>>
        tpu.enqueue_indirect_dma source(%dma_start3A_144 : memref<20480x128xf32, #tpu.memory_space<hbm>>) target(%arg9 : memref<128x128xf32, #tpu.memory_space<vmem>>) offsets(%dma_start3A_141 : memref<128xi32, #tpu.memory_space<vmem>>) semaphore(%arg15 : memref<!tpu.dma_semaphore, #tpu.memory_space<semaphore_mem>>)
      } else {
      }
      %sub3A_90 = arith.constant 5 : i32
      %sub3A_91 = arith.subi %add3A_84, %sub3A_90 : i32
      %ge3A_92 = arith.constant 0 : i32
      %ge3A_93 = arith.cmpi sge, %sub3A_91, %ge3A_92 : i32
      %lt3A_94 = arith.constant 200 : i32
      %lt3A_95 = arith.cmpi slt, %sub3A_91, %lt3A_94 : i32
      %and3A_96 = arith.andi %ge3A_93, %lt3A_95 : i1
      %convert_element_type3A_97 = arith.extui %and3A_96 : i1 to i32
      %cond3A_98 = arith.constant 0 : i32
      %cond3A_99 = arith.cmpi ne, %convert_element_type3A_97, %cond3A_98 : i32
      scf.if %cond3A_99 {
        %dma_wait3A_135 = arith.constant 0 : i32
        %dma_wait3A_136 = arith.constant 0 : i32
        %dma_wait3A_137 = tpu.memref_slice %arg5[%dma_wait3A_135, %dma_wait3A_136] : memref<200x128xi32, #tpu.memory_space<vmem>> -> memref<1x128xi32, #tpu.memory_space<vmem>>
        %dma_wait3A_138 = tpu.memref_squeeze %dma_wait3A_137 : memref<1x128xi32, #tpu.memory_space<vmem>> -> memref<128xi32, #tpu.memory_space<vmem>>
        %dma_wait3A_139 = arith.constant 0 : i32
        %dma_wait3A_140 = arith.constant 0 : i32
        %dma_wait3A_141 = tpu.memref_slice %arg2[%dma_wait3A_139, %dma_wait3A_140] : memref<20480x128xf32, #tpu.memory_space<hbm>> -> memref<20480x128xf32, #tpu.memory_space<hbm>>
        tpu.wait_indirect_dma semaphore(%arg16 : memref<!tpu.dma_semaphore, #tpu.memory_space<semaphore_mem>>) src(%dma_wait3A_141 : memref<20480x128xf32, #tpu.memory_space<hbm>>) dst(%arg10 : memref<128x128xf32, #tpu.memory_space<vmem>>)
        %mul3A_142 = arith.constant 128 : i32
        %mul3A_143 = arith.muli %sub3A_91, %mul3A_142 : i32
        %add3A_144 = arith.addi %mul3A_4, %mul3A_143 : i32
        %dma_start3A = arith.constant 0 : i32
        %dma_start3A_145 = tpu.memref_slice %arg4[%add3A_144, %dma_start3A] : memref<819200x128xf32, #tpu.memory_space<hbm>> -> memref<128x128xf32, #tpu.memory_space<hbm>>
        %dma_start3A_146 = arith.constant 0 : i32
        %dma_start3A_147 = tpu.memref_slice %arg4[%add3A_144, %dma_start3A_146] : memref<819200x128xf32, #tpu.memory_space<hbm>> -> memref<128x128xf32, #tpu.memory_space<hbm>>
        tpu.enqueue_dma source(%arg10 : memref<128x128xf32, #tpu.memory_space<vmem>>) target(%dma_start3A_147 : memref<128x128xf32, #tpu.memory_space<hbm>>) target_semaphore(%arg22 : memref<!tpu.dma_semaphore, #tpu.memory_space<semaphore_mem>>)
      } else {
      }
      %add3A_100 = arith.constant 4 : i32
      %add3A_101 = arith.addi %mul3A_37, %add3A_100 : i32
      %lt3A_102 = arith.constant 200 : i32
      %lt3A_103 = arith.cmpi slt, %add3A_101, %lt3A_102 : i32
      %convert_element_type3A_104 = arith.extui %lt3A_103 : i1 to i32
      %cond3A_105 = arith.constant 0 : i32
      %cond3A_106 = arith.cmpi ne, %convert_element_type3A_104, %cond3A_105 : i32
      scf.if %cond3A_106 {
        %ge3A_135 = arith.constant 6 : i32
        %ge3A_136 = arith.cmpi sge, %add3A_101, %ge3A_135 : i32
        %convert_element_type3A_137 = arith.extui %ge3A_136 : i1 to i32
        %cond3A_138 = arith.constant 0 : i32
        %cond3A_139 = arith.cmpi ne, %convert_element_type3A_137, %cond3A_138 : i32
        scf.if %cond3A_139 {
          %dma_wait3A_145 = arith.constant 0 : i32
          %dma_wait3A_146 = tpu.memref_slice %arg4[%mul3A_4, %dma_wait3A_145] : memref<819200x128xf32, #tpu.memory_space<hbm>> -> memref<128x128xf32, #tpu.memory_space<hbm>>
          %dma_wait3A_147 = arith.constant 0 : i32
          %dma_wait3A_148 = tpu.memref_slice %arg4[%mul3A_4, %dma_wait3A_147] : memref<819200x128xf32, #tpu.memory_space<hbm>> -> memref<128x128xf32, #tpu.memory_space<hbm>>
          tpu.wait_dma2 semaphore(%arg22 : memref<!tpu.dma_semaphore, #tpu.memory_space<semaphore_mem>>) src(%arg10 : memref<128x128xf32, #tpu.memory_space<vmem>>) dst(%dma_wait3A_148 : memref<128x128xf32, #tpu.memory_space<hbm>>)
        } else {
        }
        %dma_start3A = arith.constant 0 : i32
        %dma_start3A_140 = tpu.memref_slice %arg5[%add3A_101, %dma_start3A] : memref<200x128xi32, #tpu.memory_space<vmem>> -> memref<1x128xi32, #tpu.memory_space<vmem>>
        %dma_start3A_141 = tpu.memref_squeeze %dma_start3A_140 : memref<1x128xi32, #tpu.memory_space<vmem>> -> memref<128xi32, #tpu.memory_space<vmem>>
        %dma_start3A_142 = arith.constant 0 : i32
        %dma_start3A_143 = arith.constant 0 : i32
        %dma_start3A_144 = tpu.memref_slice %arg2[%dma_start3A_142, %dma_start3A_143] : memref<20480x128xf32, #tpu.memory_space<hbm>> -> memref<20480x128xf32, #tpu.memory_space<hbm>>
        tpu.enqueue_indirect_dma source(%dma_start3A_144 : memref<20480x128xf32, #tpu.memory_space<hbm>>) target(%arg10 : memref<128x128xf32, #tpu.memory_space<vmem>>) offsets(%dma_start3A_141 : memref<128xi32, #tpu.memory_space<vmem>>) semaphore(%arg16 : memref<!tpu.dma_semaphore, #tpu.memory_space<semaphore_mem>>)
      } else {
      }
      %sub3A_107 = arith.constant 5 : i32
      %sub3A_108 = arith.subi %add3A_101, %sub3A_107 : i32
      %ge3A_109 = arith.constant 0 : i32
      %ge3A_110 = arith.cmpi sge, %sub3A_108, %ge3A_109 : i32
      %lt3A_111 = arith.constant 200 : i32
      %lt3A_112 = arith.cmpi slt, %sub3A_108, %lt3A_111 : i32
      %and3A_113 = arith.andi %ge3A_110, %lt3A_112 : i1
      %convert_element_type3A_114 = arith.extui %and3A_113 : i1 to i32
      %cond3A_115 = arith.constant 0 : i32
      %cond3A_116 = arith.cmpi ne, %convert_element_type3A_114, %cond3A_115 : i32
      scf.if %cond3A_116 {
        %dma_wait3A_135 = arith.constant 0 : i32
        %dma_wait3A_136 = arith.constant 0 : i32
        %dma_wait3A_137 = tpu.memref_slice %arg5[%dma_wait3A_135, %dma_wait3A_136] : memref<200x128xi32, #tpu.memory_space<vmem>> -> memref<1x128xi32, #tpu.memory_space<vmem>>
        %dma_wait3A_138 = tpu.memref_squeeze %dma_wait3A_137 : memref<1x128xi32, #tpu.memory_space<vmem>> -> memref<128xi32, #tpu.memory_space<vmem>>
        %dma_wait3A_139 = arith.constant 0 : i32
        %dma_wait3A_140 = arith.constant 0 : i32
        %dma_wait3A_141 = tpu.memref_slice %arg2[%dma_wait3A_139, %dma_wait3A_140] : memref<20480x128xf32, #tpu.memory_space<hbm>> -> memref<20480x128xf32, #tpu.memory_space<hbm>>
        tpu.wait_indirect_dma semaphore(%arg17 : memref<!tpu.dma_semaphore, #tpu.memory_space<semaphore_mem>>) src(%dma_wait3A_141 : memref<20480x128xf32, #tpu.memory_space<hbm>>) dst(%arg11 : memref<128x128xf32, #tpu.memory_space<vmem>>)
        %mul3A_142 = arith.constant 128 : i32
        %mul3A_143 = arith.muli %sub3A_108, %mul3A_142 : i32
        %add3A_144 = arith.addi %mul3A_4, %mul3A_143 : i32
        %dma_start3A = arith.constant 0 : i32
        %dma_start3A_145 = tpu.memref_slice %arg4[%add3A_144, %dma_start3A] : memref<819200x128xf32, #tpu.memory_space<hbm>> -> memref<128x128xf32, #tpu.memory_space<hbm>>
        %dma_start3A_146 = arith.constant 0 : i32
        %dma_start3A_147 = tpu.memref_slice %arg4[%add3A_144, %dma_start3A_146] : memref<819200x128xf32, #tpu.memory_space<hbm>> -> memref<128x128xf32, #tpu.memory_space<hbm>>
        tpu.enqueue_dma source(%arg11 : memref<128x128xf32, #tpu.memory_space<vmem>>) target(%dma_start3A_147 : memref<128x128xf32, #tpu.memory_space<hbm>>) target_semaphore(%arg23 : memref<!tpu.dma_semaphore, #tpu.memory_space<semaphore_mem>>)
      } else {
      }
      %add3A_117 = arith.constant 5 : i32
      %add3A_118 = arith.addi %mul3A_37, %add3A_117 : i32
      %lt3A_119 = arith.constant 200 : i32
      %lt3A_120 = arith.cmpi slt, %add3A_118, %lt3A_119 : i32
      %convert_element_type3A_121 = arith.extui %lt3A_120 : i1 to i32
      %cond3A_122 = arith.constant 0 : i32
      %cond3A_123 = arith.cmpi ne, %convert_element_type3A_121, %cond3A_122 : i32
      scf.if %cond3A_123 {
        %ge3A_135 = arith.constant 6 : i32
        %ge3A_136 = arith.cmpi sge, %add3A_118, %ge3A_135 : i32
        %convert_element_type3A_137 = arith.extui %ge3A_136 : i1 to i32
        %cond3A_138 = arith.constant 0 : i32
        %cond3A_139 = arith.cmpi ne, %convert_element_type3A_137, %cond3A_138 : i32
        scf.if %cond3A_139 {
          %dma_wait3A_145 = arith.constant 0 : i32
          %dma_wait3A_146 = tpu.memref_slice %arg4[%mul3A_4, %dma_wait3A_145] : memref<819200x128xf32, #tpu.memory_space<hbm>> -> memref<128x128xf32, #tpu.memory_space<hbm>>
          %dma_wait3A_147 = arith.constant 0 : i32
          %dma_wait3A_148 = tpu.memref_slice %arg4[%mul3A_4, %dma_wait3A_147] : memref<819200x128xf32, #tpu.memory_space<hbm>> -> memref<128x128xf32, #tpu.memory_space<hbm>>
          tpu.wait_dma2 semaphore(%arg23 : memref<!tpu.dma_semaphore, #tpu.memory_space<semaphore_mem>>) src(%arg11 : memref<128x128xf32, #tpu.memory_space<vmem>>) dst(%dma_wait3A_148 : memref<128x128xf32, #tpu.memory_space<hbm>>)
        } else {
        }
        %dma_start3A = arith.constant 0 : i32
        %dma_start3A_140 = tpu.memref_slice %arg5[%add3A_118, %dma_start3A] : memref<200x128xi32, #tpu.memory_space<vmem>> -> memref<1x128xi32, #tpu.memory_space<vmem>>
        %dma_start3A_141 = tpu.memref_squeeze %dma_start3A_140 : memref<1x128xi32, #tpu.memory_space<vmem>> -> memref<128xi32, #tpu.memory_space<vmem>>
        %dma_start3A_142 = arith.constant 0 : i32
        %dma_start3A_143 = arith.constant 0 : i32
        %dma_start3A_144 = tpu.memref_slice %arg2[%dma_start3A_142, %dma_start3A_143] : memref<20480x128xf32, #tpu.memory_space<hbm>> -> memref<20480x128xf32, #tpu.memory_space<hbm>>
        tpu.enqueue_indirect_dma source(%dma_start3A_144 : memref<20480x128xf32, #tpu.memory_space<hbm>>) target(%arg11 : memref<128x128xf32, #tpu.memory_space<vmem>>) offsets(%dma_start3A_141 : memref<128xi32, #tpu.memory_space<vmem>>) semaphore(%arg17 : memref<!tpu.dma_semaphore, #tpu.memory_space<semaphore_mem>>)
      } else {
      }
      %sub3A_124 = arith.constant 5 : i32
      %sub3A_125 = arith.subi %add3A_118, %sub3A_124 : i32
      %ge3A_126 = arith.constant 0 : i32
      %ge3A_127 = arith.cmpi sge, %sub3A_125, %ge3A_126 : i32
      %lt3A_128 = arith.constant 200 : i32
      %lt3A_129 = arith.cmpi slt, %sub3A_125, %lt3A_128 : i32
      %and3A_130 = arith.andi %ge3A_127, %lt3A_129 : i1
      %convert_element_type3A_131 = arith.extui %and3A_130 : i1 to i32
      %cond3A_132 = arith.constant 0 : i32
      %cond3A_133 = arith.cmpi ne, %convert_element_type3A_131, %cond3A_132 : i32
      scf.if %cond3A_133 {
        %dma_wait3A_135 = arith.constant 0 : i32
        %dma_wait3A_136 = arith.constant 0 : i32
        %dma_wait3A_137 = tpu.memref_slice %arg5[%dma_wait3A_135, %dma_wait3A_136] : memref<200x128xi32, #tpu.memory_space<vmem>> -> memref<1x128xi32, #tpu.memory_space<vmem>>
        %dma_wait3A_138 = tpu.memref_squeeze %dma_wait3A_137 : memref<1x128xi32, #tpu.memory_space<vmem>> -> memref<128xi32, #tpu.memory_space<vmem>>
        %dma_wait3A_139 = arith.constant 0 : i32
        %dma_wait3A_140 = arith.constant 0 : i32
        %dma_wait3A_141 = tpu.memref_slice %arg2[%dma_wait3A_139, %dma_wait3A_140] : memref<20480x128xf32, #tpu.memory_space<hbm>> -> memref<20480x128xf32, #tpu.memory_space<hbm>>
        tpu.wait_indirect_dma semaphore(%arg12 : memref<!tpu.dma_semaphore, #tpu.memory_space<semaphore_mem>>) src(%dma_wait3A_141 : memref<20480x128xf32, #tpu.memory_space<hbm>>) dst(%arg6 : memref<128x128xf32, #tpu.memory_space<vmem>>)
        %mul3A_142 = arith.constant 128 : i32
        %mul3A_143 = arith.muli %sub3A_125, %mul3A_142 : i32
        %add3A_144 = arith.addi %mul3A_4, %mul3A_143 : i32
        %dma_start3A = arith.constant 0 : i32
        %dma_start3A_145 = tpu.memref_slice %arg4[%add3A_144, %dma_start3A] : memref<819200x128xf32, #tpu.memory_space<hbm>> -> memref<128x128xf32, #tpu.memory_space<hbm>>
        %dma_start3A_146 = arith.constant 0 : i32
        %dma_start3A_147 = tpu.memref_slice %arg4[%add3A_144, %dma_start3A_146] : memref<819200x128xf32, #tpu.memory_space<hbm>> -> memref<128x128xf32, #tpu.memory_space<hbm>>
        tpu.enqueue_dma source(%arg6 : memref<128x128xf32, #tpu.memory_space<vmem>>) target(%dma_start3A_147 : memref<128x128xf32, #tpu.memory_space<hbm>>) target_semaphore(%arg18 : memref<!tpu.dma_semaphore, #tpu.memory_space<semaphore_mem>>)
      } else {
      }
      %scan3A_134 = arith.constant 0 : i32
      scf.yield %scan3A_134 : i32
    }
    %scan3A_10 = arith.constant 35 : i32
    %dma_wait3A = arith.constant 0 : i32
    %dma_wait3A_11 = tpu.memref_slice %arg4[%mul3A_4, %dma_wait3A] : memref<819200x128xf32, #tpu.memory_space<hbm>> -> memref<128x128xf32, #tpu.memory_space<hbm>>
    %dma_wait3A_12 = arith.constant 0 : i32
    %dma_wait3A_13 = tpu.memref_slice %arg4[%mul3A_4, %dma_wait3A_12] : memref<819200x128xf32, #tpu.memory_space<hbm>> -> memref<128x128xf32, #tpu.memory_space<hbm>>
    tpu.wait_dma2 semaphore(%arg18 : memref<!tpu.dma_semaphore, #tpu.memory_space<semaphore_mem>>) src(%arg6 : memref<128x128xf32, #tpu.memory_space<vmem>>) dst(%dma_wait3A_13 : memref<128x128xf32, #tpu.memory_space<hbm>>)
    %dma_wait3A_14 = arith.constant 0 : i32
    %dma_wait3A_15 = tpu.memref_slice %arg4[%mul3A_4, %dma_wait3A_14] : memref<819200x128xf32, #tpu.memory_space<hbm>> -> memref<128x128xf32, #tpu.memory_space<hbm>>
    %dma_wait3A_16 = arith.constant 0 : i32
    %dma_wait3A_17 = tpu.memref_slice %arg4[%mul3A_4, %dma_wait3A_16] : memref<819200x128xf32, #tpu.memory_space<hbm>> -> memref<128x128xf32, #tpu.memory_space<hbm>>
    tpu.wait_dma2 semaphore(%arg19 : memref<!tpu.dma_semaphore, #tpu.memory_space<semaphore_mem>>) src(%arg7 : memref<128x128xf32, #tpu.memory_space<vmem>>) dst(%dma_wait3A_17 : memref<128x128xf32, #tpu.memory_space<hbm>>)
    %dma_wait3A_18 = arith.constant 0 : i32
    %dma_wait3A_19 = tpu.memref_slice %arg4[%mul3A_4, %dma_wait3A_18] : memref<819200x128xf32, #tpu.memory_space<hbm>> -> memref<128x128xf32, #tpu.memory_space<hbm>>
    %dma_wait3A_20 = arith.constant 0 : i32
    %dma_wait3A_21 = tpu.memref_slice %arg4[%mul3A_4, %dma_wait3A_20] : memref<819200x128xf32, #tpu.memory_space<hbm>> -> memref<128x128xf32, #tpu.memory_space<hbm>>
    tpu.wait_dma2 semaphore(%arg20 : memref<!tpu.dma_semaphore, #tpu.memory_space<semaphore_mem>>) src(%arg8 : memref<128x128xf32, #tpu.memory_space<vmem>>) dst(%dma_wait3A_21 : memref<128x128xf32, #tpu.memory_space<hbm>>)
    %dma_wait3A_22 = arith.constant 0 : i32
    %dma_wait3A_23 = tpu.memref_slice %arg4[%mul3A_4, %dma_wait3A_22] : memref<819200x128xf32, #tpu.memory_space<hbm>> -> memref<128x128xf32, #tpu.memory_space<hbm>>
    %dma_wait3A_24 = arith.constant 0 : i32
    %dma_wait3A_25 = tpu.memref_slice %arg4[%mul3A_4, %dma_wait3A_24] : memref<819200x128xf32, #tpu.memory_space<hbm>> -> memref<128x128xf32, #tpu.memory_space<hbm>>
    tpu.wait_dma2 semaphore(%arg21 : memref<!tpu.dma_semaphore, #tpu.memory_space<semaphore_mem>>) src(%arg9 : memref<128x128xf32, #tpu.memory_space<vmem>>) dst(%dma_wait3A_25 : memref<128x128xf32, #tpu.memory_space<hbm>>)
    %dma_wait3A_26 = arith.constant 0 : i32
    %dma_wait3A_27 = tpu.memref_slice %arg4[%mul3A_4, %dma_wait3A_26] : memref<819200x128xf32, #tpu.memory_space<hbm>> -> memref<128x128xf32, #tpu.memory_space<hbm>>
    %dma_wait3A_28 = arith.constant 0 : i32
    %dma_wait3A_29 = tpu.memref_slice %arg4[%mul3A_4, %dma_wait3A_28] : memref<819200x128xf32, #tpu.memory_space<hbm>> -> memref<128x128xf32, #tpu.memory_space<hbm>>
    tpu.wait_dma2 semaphore(%arg22 : memref<!tpu.dma_semaphore, #tpu.memory_space<semaphore_mem>>) src(%arg10 : memref<128x128xf32, #tpu.memory_space<vmem>>) dst(%dma_wait3A_29 : memref<128x128xf32, #tpu.memory_space<hbm>>)
    %dma_wait3A_30 = arith.constant 0 : i32
    %dma_wait3A_31 = tpu.memref_slice %arg4[%mul3A_4, %dma_wait3A_30] : memref<819200x128xf32, #tpu.memory_space<hbm>> -> memref<128x128xf32, #tpu.memory_space<hbm>>
    %dma_wait3A_32 = arith.constant 0 : i32
    %dma_wait3A_33 = tpu.memref_slice %arg4[%mul3A_4, %dma_wait3A_32] : memref<819200x128xf32, #tpu.memory_space<hbm>> -> memref<128x128xf32, #tpu.memory_space<hbm>>
    tpu.wait_dma2 semaphore(%arg23 : memref<!tpu.dma_semaphore, #tpu.memory_space<semaphore_mem>>) src(%arg11 : memref<128x128xf32, #tpu.memory_space<vmem>>) dst(%dma_wait3A_33 : memref<128x128xf32, #tpu.memory_space<hbm>>)
    return
  }
}

module attributes {stable_mosaic.version = 14 : i64} {
  func.func @_tc_body(%arg0: i32, %arg1: memref<512x200xi32, #tpu.memory_space<vmem>>, %arg2: memref<512x512xf32, #tpu.memory_space<vmem>>, %arg3: memref<8x128xf32, #tpu.memory_space<vmem>>, %arg4: memref<128x512xf32, #tpu.memory_space<vmem>>, %arg5: memref<1x128xf32, #tpu.memory_space<vmem>>, %arg6: memref<512x128xf32, #tpu.memory_space<vmem>>, %arg7: memref<512x5x128xf32, #tpu.memory_space<vmem>>, %arg8: memref<512x200xi32, #tpu.memory_space<vmem>>) attributes {dimension_semantics = [#tpu.dimension_semantics<arbitrary>], iteration_bounds = array<i64: 8>, scalar_prefetch = 0 : i64, scratch_operands = 0 : i64, tpu.core_type = #tpu.core_type<tc>, window_params = [{transform_indices = @transform_0, window_bounds = array<i64: 512, 200>}, {transform_indices = @transform_1, window_bounds = array<i64: 512, 512>}, {pipeline_mode = #tpu.pipeline_mode<synchronous>, transform_indices = @transform_2, window_bounds = array<i64: 8, 128>}, {pipeline_mode = #tpu.pipeline_mode<synchronous>, transform_indices = @transform_3, window_bounds = array<i64: 128, 512>}, {pipeline_mode = #tpu.pipeline_mode<synchronous>, transform_indices = @transform_4, window_bounds = array<i64: 1, 128>}, {transform_indices = @transform_5, window_bounds = array<i64: 512, 128>}, {transform_indices = @transform_6, window_bounds = array<i64: 512, 5, 128>}, {transform_indices = @transform_7, window_bounds = array<i64: 512, 200>}]} {
    %get3A = arith.constant 0 : index
    %get3A_0 = arith.constant 0 : index
    %get3A_1 = vector.load %arg2[%get3A, %get3A_0] : memref<512x512xf32, #tpu.memory_space<vmem>>, vector<512x512xf32>
    %get3A_2 = arith.constant 0 : index
    %get3A_3 = arith.constant 0 : index
    %get3A_4 = vector.load %arg4[%get3A_2, %get3A_3] : memref<128x512xf32, #tpu.memory_space<vmem>>, vector<128x512xf32>
    %dot_general3A = arith.constant dense<0.000000e+00> : vector<512x128xf32>
    %dot_general3A_5 = tpu.matmul %get3A_1, %get3A_4, %dot_general3A {dimension_numbers = #tpu.dot_dimension_numbers<[1], [1], [0], [0], [0, 0, 1, 0], [], []>, transpose_lhs_hint = false} : vector<512x512xf32>, vector<128x512xf32>, vector<512x128xf32> -> vector<512x128xf32>
    %get3A_6 = arith.constant 0 : index
    %get3A_7 = arith.constant 0 : index
    %get3A_8 = vector.load %arg5[%get3A_6, %get3A_7] : memref<1x128xf32, #tpu.memory_space<vmem>>, vector<1x128xf32>
    %add3A = vector.broadcast %get3A_8 : vector<1x128xf32> to vector<512x128xf32>
    %add3A_9 = arith.addf %dot_general3A_5, %add3A : vector<512x128xf32>
    %swap3A = arith.constant 0 : index
    %swap3A_10 = arith.constant 0 : index
    %swap3A_11 = vector.load %arg6[%swap3A, %swap3A_10] : memref<512x128xf32, #tpu.memory_space<vmem>>, vector<512x128xf32>
    tpu.vector_store %arg6[%swap3A, %swap3A_10], %add3A_9 {strides = array<i32>} : memref<512x128xf32, #tpu.memory_space<vmem>>, vector<512x128xf32>,
    %get3A_12 = arith.constant 0 : index
    %get3A_13 = arith.constant 0 : index
    %get3A_14 = vector.load %arg3[%get3A_12, %get3A_13] : memref<8x128xf32, #tpu.memory_space<vmem>>, vector<5x128xf32>
    %broadcast_in_dim3A = vector.shape_cast %get3A_14 : vector<5x128xf32> to vector<1x5x128xf32>
    %broadcast_in_dim3A_15 = vector.shape_cast %add3A_9 : vector<512x128xf32> to vector<512x1x128xf32>
    %add3A_16 = vector.broadcast %broadcast_in_dim3A : vector<1x5x128xf32> to vector<512x5x128xf32>
    %add3A_17 = vector.broadcast %broadcast_in_dim3A_15 : vector<512x1x128xf32> to vector<512x5x128xf32>
    %add3A_18 = arith.addf %add3A_16, %add3A_17 : vector<512x5x128xf32>
    %swap3A_19 = arith.constant 0 : index
    %swap3A_20 = arith.constant 0 : index
    %swap3A_21 = arith.constant 0 : index
    %swap3A_22 = vector.load %arg7[%swap3A_19, %swap3A_20, %swap3A_21] : memref<512x5x128xf32, #tpu.memory_space<vmem>>, vector<512x5x128xf32>
    tpu.vector_store %arg7[%swap3A_19, %swap3A_20, %swap3A_21], %add3A_18 {strides = array<i32>} : memref<512x5x128xf32, #tpu.memory_space<vmem>>, vector<512x5x128xf32>,
    %mul3A = arith.constant 512 : i32
    %mul3A_23 = arith.muli %arg0, %mul3A : i32
    %iota3A = tpu.iota {dimensions = array<i32: 0>} : vector<512x200xi32>
    %add3A_24 = vector.broadcast %mul3A_23 : i32 to vector<512x200xi32>
    %add3A_25 = arith.addi %add3A_24, %iota3A : vector<512x200xi32>
    %mul3A_26 = arith.constant 5 : i32
    %mul3A_27 = vector.broadcast %mul3A_26 : i32 to vector<512x200xi32>
    %mul3A_28 = arith.muli %mul3A_27, %add3A_25 : vector<512x200xi32>
    %get3A_29 = arith.constant 0 : index
    %get3A_30 = arith.constant 0 : index
    %get3A_31 = vector.load %arg1[%get3A_29, %get3A_30] : memref<512x200xi32, #tpu.memory_space<vmem>>, vector<512x200xi32>
    %add3A_32 = arith.addi %mul3A_28, %get3A_31 : vector<512x200xi32>
    %swap3A_33 = arith.constant 0 : index
    %swap3A_34 = arith.constant 0 : index
    %swap3A_35 = vector.load %arg8[%swap3A_33, %swap3A_34] : memref<512x200xi32, #tpu.memory_space<vmem>>, vector<512x200xi32>
    tpu.vector_store %arg8[%swap3A_33, %swap3A_34], %add3A_32 {strides = array<i32>} : memref<512x200xi32, #tpu.memory_space<vmem>>, vector<512x200xi32>,
    return
  }
  func.func @transform_0(%arg0: i32) -> (i32, i32) {
    %c0_i32 = arith.constant 0 : i32
    %c0_i32_0 = arith.constant 0 : i32
    return %arg0, %c0_i32 : i32, i32
  }
  func.func @transform_1(%arg0: i32) -> (i32, i32) {
    %c0_i32 = arith.constant 0 : i32
    %c0_i32_0 = arith.constant 0 : i32
    return %arg0, %c0_i32 : i32, i32
  }
  func.func @transform_2(%arg0: i32) -> (i32, i32) {
    %c0_i32 = arith.constant 0 : i32
    %c0_i32_0 = arith.constant 0 : i32
    %c0_i32_1 = arith.constant 0 : i32
    return %c0_i32, %c0_i32_0 : i32, i32
  }
  func.func @transform_3(%arg0: i32) -> (i32, i32) {
    %c0_i32 = arith.constant 0 : i32
    %c0_i32_0 = arith.constant 0 : i32
    %c0_i32_1 = arith.constant 0 : i32
    return %c0_i32, %c0_i32_0 : i32, i32
  }
  func.func @transform_4(%arg0: i32) -> (i32, i32) {
    %c0_i32 = arith.constant 0 : i32
    %c0_i32_0 = arith.constant 0 : i32
    %c0_i32_1 = arith.constant 0 : i32
    return %c0_i32, %c0_i32_0 : i32, i32
  }
  func.func @transform_5(%arg0: i32) -> (i32, i32) {
    %c0_i32 = arith.constant 0 : i32
    %c0_i32_0 = arith.constant 0 : i32
    return %arg0, %c0_i32 : i32, i32
  }
  func.func @transform_6(%arg0: i32) -> (i32, i32, i32) {
    %c0_i32 = arith.constant 0 : i32
    %c0_i32_0 = arith.constant 0 : i32
    %c0_i32_1 = arith.constant 0 : i32
    return %arg0, %c0_i32, %c0_i32_0 : i32, i32, i32
  }
  func.func @transform_7(%arg0: i32) -> (i32, i32) {
    %c0_i32 = arith.constant 0 : i32
    %c0_i32_0 = arith.constant 0 : i32
    return %arg0, %c0_i32 : i32, i32
  }
}

</mosaic_0001>

<sc_bundles>
// kernel: kernel.4.cloned.1.call-start
scs
__scs_entry_jumppad:
0x0: {  	(pc) =	sbr.rel $0x88, $3  }
0x1: {  	(tag) =	ssettag $0x0;
	lr =	simm.s32 $0x1  }
0x2: {  	[smem:$0x3F9C] =	sst lr;
	_ =	strace $0xD0000000  }
0x3: {  	_ = 	snop  }
0x4: {  	_ = 	snop  }
0x5: {  	_ = 	snop  }
0x6: {  	_ = 	snop  }
0x7: {  	_ = 	snop  }
__scs_overlays_trampoline_lowered:
0x8: {  	[smem:$0x3FAB] =	sst s0  }
0x9: {  	[smem:$0x3FAC] =	sst s1  }
0xa: {  	[smem:$0x3FAD] =	sst s2  }
0xb: {  	[smem:$0x3FAE] =	sst s3  }
0xc: {  	[smem:$0x3FAF] =	sst s4  }
0xd: {  	[smem:$0x3FB0] =	sst s5  }
0xe: {  	[smem:$0x3FB1] =	sst s6  }
0xf: {  	[smem:$0x3FB2] =	sst s7  }
0x10: {  	[smem:$0x3FB3] =	sst s8  }
0x11: {  	[smem:$0x3FB4] =	sst s9;
	s0 =	simm.s32 @!p0 $0x0  }
0x12: {  	s1 =	sld [smem:$0x3F9A];
	s0 =	simm.s32 @p0 $0x1  }
0x13: {  	[smem:$0x3FB5] =	sst s0;
	s0 =	simm.s32 @!p1 $0x0  }
0x14: {  	s2 =	sld [smem:$0x3F99];
	s0 =	simm.s32 @p1 $0x1  }
0x15: {  	[smem:$0x3FB6] =	sst s0;
	s0 =	simm.s32 @!p2 $0x0  }
0x16: {  	s3 =	sld [smem:$0x3FDB];
	s0 =	simm.s32 @p2 $0x1  }
0x17: {  	s4 =	simm.s32 $0x1BF5;
	[smem:$0x3FB8] =	sst s0  }
0x18: {  	s0 =	sld [smem:$0x3F9B];
	_ =	swait.ge [sflag:s4], $0x0  }
0x19: {  	s7 =	sld [smem:$0x3F9C]  }
0x1a: {  	s8 =	sadd.s32 $0xFFFFE003, lr  }
0x1b: {  	s9 =	sadd.s32 $0xFFFFFEF7, lr;
	s5 =	simm.s32 $0xFFFFFFFF;
	p2 =	slt.u32 s8, $0xFFFFF086  }
0x1c: {  	p1 =	slt.u32 s9, $0xF7A;
	s5 =	simm.s32 @!p2 $0x0  }
0x1d: {  	s5 =	simm.s32 @p1 $0x1;
	p0 =	seq.s32 s7, s2  }
0x1e: {  	s7 =	smul.u32 @!p0 $0xF7A, s2;
	p2 =	seq.s32 @!p0 s5, $0x0  }
0x1f: {  	s9 =	smul.u32 $0xF7A, s1;
	s8 =	simm.s32 @!p0 $0x1BF5;
	p2 =	por !p2, p0  }
0x20: {  	[sflag:s8] =	ssyncset.s32 @!p0 $0xFFFFF086;
	s6 =	sadd.s32 @!p0 s3, s7;
	s7 =	simm.s32 @!p0 $0x108  }
0x21: {  	s3 =	sadd.s32 s3, s9;
	s6 =	sadd.s32 @!p0 $0x88, s6;
	s7 =	simm.s32 @p2 $0x1082  }
0x22: {  	[simem:s7], [sflag:s8] =	dma.local @!p0 [hbm:s6], $0xF7A  }
0x23: {  	s9 =	sor.u32 $0xD0000000, s2;
	s6 =	simm.s32 $0x108;
	_ =	swait.ge @!p0 [sflag:s8], $0x0  }
0x24: {  	s3 =	sadd.s32 $0x88, s3;
	s6 =	simm.s32 @!p1 $0x1082;
	[sflag:s4] =	ssyncset.s32 $0xFFFFF086  }
0x25: {  	[simem:s6], [sflag:s4] =	dma.local [hbm:s3], $0xF7A  }
0x26: {  	[smem:$0x3F9C] =	sst s1;
	(tag) =	ssettag s2;
	_ =	strace s9  }
0x27: {  	s1 =	sld [smem:$0x3FAC]  }
0x28: {  	s2 =	sld [smem:$0x3FAD]  }
0x29: {  	s4 =	sld [smem:$0x3FAF]  }
0x2a: {  	p0 =	seq.s32 s5, $0x0;
	s5 =	sld [smem:$0x3FB0]  }
0x2b: {  	s6 =	sld [smem:$0x3FB1]  }
0x2c: {  	s7 =	sld [smem:$0x3FB2]  }
0x2d: {  	s3 =	simm.s32 $0x108;
	s8 =	sld [smem:$0x3FB3]  }
0x2e: {  	s3 =	simm.s32 @!p0 $0x1082;
	s9 =	sld [smem:$0x3FB4]  }
0x2f: {  	lr =	sadd.s32 s0, s3;
	s0 =	sld [smem:$0x3FAB]  }
0x30: {  	s3 =	sld [smem:$0x3FAE]  }
0x31: {  	[smem:$0x3FB7] =	sst s10  }
0x32: {  	s10 =	sld [smem:$0x3FB5];
	_ =	sdelay $0x3  }
0x33: {  	p0 =	seq.s32 s10, $0x1;
	s10 =	sld [smem:$0x3FB7];
	_ =	sdelay $0x3  }
0x34: {  	[smem:$0x3FB7] =	sst s10  }
0x35: {  	s10 =	sld [smem:$0x3FB6];
	_ =	sdelay $0x3  }
0x36: {  	p1 =	seq.s32 s10, $0x1;
	s10 =	sld [smem:$0x3FB7];
	_ =	sdelay $0x3  }
0x37: {  	[smem:$0x3FB7] =	sst s10  }
0x38: {  	s10 =	sld [smem:$0x3FB8]  }
0x39: {  	_ = 	snop;
	(pc) =	sbr.ind lr, $3  }
0x3a: {  	_ = 	snop  }
0x3b: {  	_ = 	snop  }
0x3c: {  	p2 =	seq.s32 s10, $0x1;
	s10 =	sld [smem:$0x3FB7]  }
0x3d: {  	_ =	shalt  }
0x3e: {  	_ =	shalt  }
0x3f: {  	_ =	shalt  }
0x40: {  	_ =	shalt  }
0x41: {  	_ =	shalt  }
0x42: {  	_ =	shalt  }
0x43: {  	_ =	shalt  }
0x44: {  	_ =	shalt  }
0x45: {  	_ =	shalt  }
0x46: {  	_ =	shalt  }
0x47: {  	_ =	shalt  }
0x48: {  	_ =	shalt  }
0x49: {  	_ =	shalt  }
0x4a: {  	_ =	shalt  }
0x4b: {  	_ =	shalt  }
0x4c: {  	_ =	shalt  }
0x4d: {  	_ =	shalt  }
0x4e: {  	_ =	shalt  }
0x4f: {  	_ =	shalt  }
0x50: {  	_ =	shalt  }
0x51: {  	_ =	shalt  }
0x52: {  	_ =	shalt  }
0x53: {  	_ =	shalt  }
0x54: {  	_ =	shalt  }
0x55: {  	_ =	shalt  }
0x56: {  	_ =	shalt  }
0x57: {  	_ =	shalt  }
0x58: {  	_ =	shalt  }
0x59: {  	_ =	shalt  }
0x5a: {  	_ =	shalt  }
0x5b: {  	_ =	shalt  }
0x5c: {  	_ =	shalt  }
0x5d: {  	_ =	shalt  }
0x5e: {  	_ =	shalt  }
0x5f: {  	_ =	shalt  }
0x60: {  	_ =	shalt  }
0x61: {  	_ =	shalt  }
0x62: {  	_ =	shalt  }
0x63: {  	_ =	shalt  }
0x64: {  	_ =	shalt  }
0x65: {  	_ =	shalt  }
0x66: {  	_ =	shalt  }
0x67: {  	_ =	shalt  }
0x68: {  	_ =	shalt  }
0x69: {  	_ =	shalt  }
0x6a: {  	_ =	shalt  }
0x6b: {  	_ =	shalt  }
0x6c: {  	_ =	shalt  }
0x6d: {  	_ =	shalt  }
0x6e: {  	_ =	shalt  }
0x6f: {  	_ =	shalt  }
0x70: {  	_ =	shalt  }
0x71: {  	_ =	shalt  }
0x72: {  	_ =	shalt  }
0x73: {  	_ =	shalt  }
0x74: {  	_ =	shalt  }
0x75: {  	_ =	shalt  }
0x76: {  	_ =	shalt  }
0x77: {  	_ =	shalt  }
0x78: {  	_ =	shalt  }
0x79: {  	_ =	shalt  }
0x7a: {  	_ =	shalt  }
0x7b: {  	_ =	shalt  }
0x7c: {  	_ =	shalt  }
0x7d: {  	_ =	shalt  }
0x7e: {  	_ =	shalt  }
0x7f: {  	_ =	shalt  }
0x80: {  	_ =	shalt  }
0x81: {  	_ =	shalt  }
0x82: {  	_ =	shalt  }
0x83: {  	_ =	shalt  }
0x84: {  	_ =	shalt  }
0x85: {  	_ =	shalt  }
0x86: {  	_ =	shalt  }
0x87: {  	_ =	shalt  }
.Lfunc_end0:
.L_simem_size_0:
called_computation_lowered:
.L_overlay_start_0:
0x88: {  	s2 =	sld [smem:$0x3FD9]  }
0x89: {  	s3 =	sld [smem:$0x3FFE];
	_ =	sdelay $0x1  }
0x8a: {  	s1 =	srdreg.scid  }
0x8b: {  	s0 =	sand.u32 $0x1, s1  }
0x8c: {  	s14 =	sshll.u32 s0, $0xA;
	s2 =	sadd.s32 s3, s2  }
0x8d: {  	s2 =	sadd.s32 s2, s14  }
0x8e: {  	[smem:$0x3FC3] =	sst s2  }
0x8f: {  	_ = 	snop  }
0x90: {  	s2 =	sld [smem:$0x3FD0];
	_ =	sdelay $0x2  }
0x91: {  	s15 =	simm.s32 $0xA;
	s4 =	simm.s32 $0x10  }
0x92: {  	[smem:s4], [sflag:s15] =	dma.local [hbm:s2], $0x1  }
0x93: {  	_ =	swait.eq [sflag:s15], $0x1  }
0x94: {  	[sflag:s15] =	ssyncset.done $0x0  }
0x95: {  	[sflag:s15] =	ssyncadd.s32 $0xFFFFFFFF  }
0x96: {  	s16 =	sld [smem:$0x10];
	(tm) =	ssettm $0x1  }
0x97: {  	s17 =	sld [smem:$0x3FFB];
	_ =	sdelay $0x3  }
0x98: {  	_ =	strace s17  }
0x99: {  	s3 =	sld [smem:$0x3FFC];
	_ =	sdelay $0x3  }
0x9a: {  	_ =	strace s3  }
0x9b: {  	s3 =	sld [smem:$0x3FFD];
	_ =	sdelay $0x3  }
0x9c: {  	_ =	strace s3  }
0x9d: {  	_ =	strace $0x8FFFFFFF  }
0x9e: {  	s18 =	sld [smem:$0x3FDB];
	_ =	sdelay $0x1  }
0x9f: {  	s19 =	simm.s32 $_scs_section_size  }
0xa0: {  	s5 =	simm.s32 $_size__tile_overlayer_lowered;
	s6 =	simm.s32 $_tile_overlayer_lowered  }
0xa1: {  	s22 =	simm.s32 $0x1BFF;
	s21 =	sshll.u32 s6, $0x1;
	s3 =	sadd.s32 s19, s18  }
0xa2: {  	s7 =	simm.s32 $0x0;
	s20 =	sshll.u32 s5, $0x1;
	s5 =	sadd.s32 s21, s3  }
0xa3: {  	[timem:s7], [sflag:s22] =	dma.local [hbm:s5], s20  }
0xa4: {  	_ =	swait.ge [sflag:s22], s20  }
0xa5: {  	s4 =	ssub.s32 $0x0, s20;
	[sflag:s22] =	ssyncset.done $0x0  }
0xa6: {  	[sflag:s22] =	ssyncadd.s32 s4;
	_ =	sdelay $0x1  }
0xa7: {  	s23 =	simm.s32 $0x1B8B  }
0xa8: {  	_ =	swait.ge [sflag:s23], $0x1  }
0xa9: {  	[sflag:s23] =	ssyncset.done $0x0  }
0xaa: {  	s25 =	simm.s32 $0x1B8E;
	s24 =	sld [smem:$0x3FFE];
	[sflag:s23] =	ssyncadd.s32 $0xFFFFFFFF  }
0xab: {  	s26 =	simm.s32 $execute0_lowered;
	[smem:$0x3FD2] =	sst s25  }
0xac: {  	s5 =	sshll.u32 s26, $0x1;
	_ =	strace $0x80000046;
	[dreg:$0x1] =	wrdreg $0xFFFFFFFF  }
0xad: {  	s28 =	simm.s32 $_size_execute0_lowered;
	s3 =	sadd.s32 s3, s5;
	[dreg:$0x0] =	wrdreg $0x0  }
0xae: {  	s5 =	sshll.u32 s28, $0x1;
	[dreg:$0x2] =	wrdreg s3  }
0xaf: {  	[dreg:$0x3] =	wrdreg s5  }
0xb0: {  	[dreg:$0x4] =	wrdreg $0xC0  }
0xb1: {  	_ =	task [dreg:s7], $0x5FFFF  }
0xb2: {  	[dreg:$0x1] =	wrdreg $0xFFFFFFFF  }
0xb3: {  	[dreg:$0x0] =	wrdreg $0x60  }
0xb4: {  	[dreg:$0x2] =	wrdreg s24  }
0xb5: {  	[dreg:$0x3] =	wrdreg s16  }
0xb6: {  	[dreg:$0x4] =	wrdreg $0x9  }
0xb7: {  	_ =	task.clear_ibuf [dreg:s7], $0x5FFFF;
	_ =	strace $0x90000046  }
0xb8: {  	s29 =	simm.s32 $0x9;
	_ =	strace $0x80000048  }
0xb9: {  	_ =	swait.ge [sflag:s29], $0x1  }
0xba: {  	[sflag:s29] =	ssyncadd.s32 $0xFFFFFFFF  }
0xbb: {  	_ =	strace $0x90000048  }
0xbc: {  	_ =	sfence  }
0xbd: {  	s30 =	sld [smem:$0x0];
	_ =	sdelay $0x2  }
0xbe: {  	s31 =	sshll.u32 s1, $0xD;
	s1 =	sshrl.u32 s1, $0x2  }
0xbf: {  	s3 =	sand.u32 $0x4000, s31;
	s1 =	sadd.s32 s1, s30  }
0xc0: {  	s0 =	sor.u32 s3, s0;
	s1 =	sshll.u32 s1, $0x11  }
0xc1: {  	s0 =	sor.u32 s1, s0  }
0xc2: {  	s0 =	sadd.s32 $0x8F2B, s0  }
0xc3: {  	[sflag:s0] =	ssyncadd.remote.s32 $0x1  }
0xc4: {  	_ =	sfence.sel $0xFFFF  }
0xc5: {  	[dreg:$0x0] =	wrdreg $0xFFFFFFFF;
	(pc) =	sbr.abs _section_cstart, $3  }
0xc6: {  	[dreg:$0x1] =	wrdreg $0xFFFFFFFF  }
0xc7: {  	_ =	task.clear_ibuf [dreg:s7], $0x2FFFF;
	_ =	strace $0x9FFFFFFF  }
0xc8: {  	(tm) =	ssettm $0x7FFFFFFF  }
0xc9: {  	_ =	shalt  }
tec
execute0_lowered:
.L_overlay_start_1:
0x0: {  	(tag) =	ssettag $0x1  }
0x1: {  	s0 =	rddreg [dreg:$0x0]  }
0x2: {  	s1 =	srdreg.scid;
	s9 =	stileid.u32  }
0x3: {  	s2 =	rddreg [dreg:$0x1];
	s3 =	simm.s32 $0x0;
	s11 =	simm.s32 $0x2  }
0x4: {  	s12 =	simm.s32 $0xA400;
	s13 =	simm.s32 $0x8;
	s14 =	simm.s32 $0x80  }
0x5: {  	s15 =	simm.s32 $0x9;
	s16 =	simm.s32 $0xE400;
	s17 =	simm.s32 $0x4  }
0x6: {  	s18 =	simm.s32 $0x12400;
	s19 =	simm.s32 $0xA;
	s20 =	simm.s32 $0x7  }
0x7: {  	s21 =	simm.s32 $0xB;
	s22 =	simm.s32 $0xC;
	s23 =	simm.s32 $0x16400  }
0x8: {  	s28 =	simm.s32 $0x0;
	s1 =	sand.u32 $0x1, s1;
	s7 =	smul.u32 $0xC8000, s9  }
0x9: {  	s4 =	sshll.u32 s9, $0x1;
	[smem:$0x7FF] =	sst s3;
	s9 =	smul.u32 $0x640000, s9  }
0xa: {  	s5 =	sor.u32 s1, s4;
	_ =	strace $0x80000047;
	s10 =	smul.u32 $0x320000, s1  }
0xb: {  	s4 =	sadd.s32 $0xE00, s0;
	s8 =	ssub.s32 $0x2, s1;
	s25 =	smul.u32 $0x64000, s1  }
0xc: {  	s6 =	smul.u32 $0x6400, s5;
	s24 =	sshrl.u32 s8, $0x1;
	s26 =	sadd.s32 s7, s2  }
0xd: {  	s8 =	ssub.s32 s8, s24;
	s29 =	sadd.s32 s10, s9;
	s10 =	simm.s32 $0xD  }
.Ltmp0:
0xe: {  	s6 =	sshrl.u32 s6, $0x3;
	s30 =	smax.u32 s8, $0x1;
	(pc) =	sbr.rel .LBB2_1-.Ltmp0, $4  }
0xf: {  	s31 =	sadd.s32 $0xFFFF8000, s29;
	s0 =	sadd.s32 s6, s0;
	[dreg:$0x4] =	wrdreg s30  }
0x10: {  	s24 =	simm.s32 $0x1A400;
	[dreg:$0x6] =	wrdreg s31;
	s0 =	sadd.s32 $0x50E00, s0  }
0x11: {  	s6 =	smul.u32 $0x320000, s5;
	[dreg:$0x3] =	wrdreg s0;
	s0 =	sadd.s32 s25, s26  }
0x12: {  	s25 =	simm.s32 $0x1;
	s26 =	simm.s32 $0x6400;
	[dreg:$0x5] =	wrdreg s0  }
.LBB2_20:
0x13: {  	_ =	swait.ge [sflag:s20], $0x4000  }
0x14: {  	[sflag:s20] =	ssyncset.done $0x0  }
0x15: {  	[sflag:s20] =	ssyncadd.s32 $0xFFFFC000  }
0x16: {  	_ =	swait.ge [sflag:s13], $0x4000  }
0x17: {  	[sflag:s13] =	ssyncset.done $0x0  }
0x18: {  	[sflag:s13] =	ssyncadd.s32 $0xFFFFC000  }
0x19: {  	_ =	swait.ge [sflag:s15], $0x4000  }
0x1a: {  	[sflag:s15] =	ssyncset.done $0x0  }
0x1b: {  	[sflag:s15] =	ssyncadd.s32 $0xFFFFC000  }
0x1c: {  	_ =	swait.ge [sflag:s19], $0x4000  }
0x1d: {  	[sflag:s19] =	ssyncset.done $0x0  }
0x1e: {  	[sflag:s19] =	ssyncadd.s32 $0xFFFFC000  }
0x1f: {  	_ =	swait.ge [sflag:s21], $0x4000  }
0x20: {  	[sflag:s21] =	ssyncset.done $0x0  }
0x21: {  	[sflag:s21] =	ssyncadd.s32 $0xFFFFC000  }
0x22: {  	_ =	swait.ge [sflag:s22], $0x4000  }
0x23: {  	s28 =	sadd.s32 $0x1, s28;
	s0 =	rddreg [dreg:$0x4]  }
0x24: {  	p0 =	sne.s32 s28, s0  }
.Ltmp1:
0x25: {  	_ = 	snop;
	(pc) =	sbr.rel @!p0 .LBB2_21-.Ltmp1, $3  }
0x26: {  	_ =	sdelay $0x1  }
0x27: {  	[sflag:s22] =	ssyncset.done $0x0  }
0x28: {  	[sflag:s22] =	ssyncadd.s32 $0xFFFFC000  }
.LBB2_1:
.Ltmp2:
0x29: {  	s0 =	rddreg [dreg:$0x3];
	(pc) =	sbr.rel .LBB2_2-.Ltmp2, $4  }
0x2a: {  	[tilespmem:s3], [sflag:$0xD] =	stream.linear.gather [hbm4b:s0+s3], $0x6400, $0x38;
	[tilespmem:$0x1E400] =	vst v63  }
0x2b: {  	s29 =	simm.s32 $0xFFFFFFFB;
	_ =	swait.ge [sflag:s10], $0x6400  }
0x2c: {  	s1 =	simm.s32 $0x0;
	[sflag:s10] =	ssyncset.done $0x0;
	s30 =	rddreg [dreg:$0x6]  }
0x2d: {  	s0 =	simm.s32 $0x0;
	s31 =	rddreg [dreg:$0x5];
	[sflag:s10] =	ssyncadd.s32 $0xFFFF9C00  }
.LBB2_16:
0x2e: {  	s5 =	sadd.s32 $0x3, s29  }
0x2f: {  	p1 =	slt.u32 s5, $0xC8  }
0x30: {  	s5 =	simm.s32 @p1 $0x5  }
0x31: {  	_ =	swait.ge @p1 [sflag:s5], $0x4000  }
0x32: {  	[sflag:s5] =	ssyncset.done @p1 $0x0  }
0x33: {  	s9 =	sadd.s32 $0x4, s29;
	[sflag:s5] =	ssyncadd.s32 @p1 $0xFFFFC000;
	s5 =	sshrl.u32 @p1 s30, $0x3  }
0x34: {  	s7 =	simm.s32 @p1 $0x0;
	s8 =	simm.s32 @p1 $0x16400;
	s5 =	sadd.s32 @p1 s2, s5  }
0x35: {  	[hbm4b:s5+s7] =	stream.linear.scatter @p1 [tilespmem:s8], [sflag:$0xB], $0x4000, $0x38;
	[tilespmem:$0x1E400] =	vst v63  }
0x36: {  	p1 =	slt.u32 s9, $0xC8  }
0x37: {  	s5 =	simm.s32 @p1 $0x6  }
.Ltmp3:
0x38: {  	_ =	swait.ge @p1 [sflag:s5], $0x4000;
	(pc) =	sbr.rel @p0 .LBB2_20-.Ltmp3, $4  }
0x39: {  	s7 =	sadd.s32 @p1 $0x4000, s30;
	[sflag:s5] =	ssyncset.done @p1 $0x0  }
0x3a: {  	[sflag:s5] =	ssyncadd.s32 @p1 $0xFFFFC000;
	s5 =	sshrl.u32 @p1 s7, $0x3  }
0x3b: {  	s8 =	simm.s32 @p1 $0x1A400;
	s7 =	simm.s32 @p1 $0x0;
	s5 =	sadd.s32 @p1 s2, s5  }
0x3c: {  	[hbm4b:s5+s7] =	stream.linear.scatter @p1 [tilespmem:s8], [sflag:$0xC], $0x4000, $0x38;
	[tilespmem:$0x1E400] =	vst v63  }
.LBB2_19:
0x3d: {  	s1 =	sadd.s32 $0xC00, s1  }
0x3e: {  	p0 =	sne.s32 s1, $0x1A400  }
.Ltmp4:
0x3f: {  	_ =	swait.ge [sflag:s25], $0x4000;
	(pc) =	sbr.rel @!p0 .LBB2_20-.Ltmp4, $4  }
0x40: {  	[sflag:s25] =	ssyncset.done $0x0  }
0x41: {  	s0 =	sadd.s32 $0x1, s0;
	[sflag:s25] =	ssyncadd.s32 $0xFFFFC000  }
0x42: {  	[hbm4b:s31+s3] =	stream.linear.scatter [tilespmem:s26], [sflag:$0x7], $0x4000, $0x38;
	[tilespmem:$0x1E400] =	vst v63  }
0x43: {  	s30 =	sadd.s32 $0x18000, s30;
	s29 =	sadd.s32 $0x6, s29;
	s31 =	sadd.s32 $0x3000, s31  }
.LBB2_2:
0x44: {  	p0 =	seq.s32 s0, $0x22  }
.Ltmp5:
0x45: {  	_ = 	snop;
	(pc) =	sbr.rel @p0 .LBB2_3-.Ltmp5, $1  }
0x46: {  	_ =	sdelay $0x3  }
0x47: {  	p0 =	sne.s32 s0, $0x0  }
.Ltmp6:
0x48: {  	_ = 	snop;
	(pc) =	sbr.rel @p0 .LBB2_6-.Ltmp6, $1  }
0x49: {  	_ =	sdelay $0x3  }
0x4a: {  	[tilespmem:s26], [sflag:$0x1] =	stream.indirect.gather [hbm4b:s4+s14], $0x80, s3, s14, $0xb8;
	[tilespmem:$0x1E400] =	vst v63  }
.Ltmp7:
0x4b: {  	s5 =	sshra.s32 s1, $0x2;
	(pc) =	sbr.rel .LBB2_14-.Ltmp7, $4  }
0x4c: {  	s7 =	sadd.s32 $0x80, s5  }
0x4d: {  	[tilespmem:s12], [sflag:$0x2] =	stream.indirect.gather [hbm4b:s4+s14], $0x80, s7, s14, $0xb8;
	[tilespmem:$0x1E400] =	vst v63  }
0x4e: {  	s5 =	sadd.s32 $0x100, s5  }
0x4f: {  	[tilespmem:s16], [sflag:$0x3] =	stream.indirect.gather [hbm4b:s4+s14], $0x80, s5, s14, $0xb8;
	[tilespmem:$0x1E400] =	vst v63  }
.LBB2_3:
.Ltmp8:
0x50: {  	(pc) =	sbr.rel .LBB2_7-.Ltmp8, $2  }
0x51: {  	_ =	sdelay $0x2  }
0x52: {  	s5 =	simm.s32 $0xC7  }
.LBB2_6:
0x53: {  	p0 =	sgt.u32 s29, $0xC7  }
.Ltmp9:
0x54: {  	_ =	swait.ge [sflag:s20], $0x4000;
	(pc) =	sbr.rel @p0 .LBB2_8-.Ltmp9, $4  }
0x55: {  	[sflag:s20] =	ssyncset.done $0x0  }
0x56: {  	s5 =	sshra.s32 s1, $0x2;
	[sflag:s20] =	ssyncadd.s32 $0xFFFFC000  }
0x57: {  	[tilespmem:s26], [sflag:$0x1] =	stream.indirect.gather [hbm4b:s4+s14], $0x80, s5, s14, $0xb8;
	[tilespmem:$0x1E400] =	vst v63  }
0x58: {  	s5 =	smov.u32 s29  }
.LBB2_7:
0x59: {  	s5 =	sshll.u32 s5, $0xE  }
0x5a: {  	_ =	swait.ge [sflag:s11], $0x4000;
	s5 =	sadd.s32 s6, s5  }
0x5b: {  	[sflag:s11] =	ssyncset.done $0x0;
	s5 =	sshrl.u32 s5, $0x3  }
0x5c: {  	[sflag:s11] =	ssyncadd.s32 $0xFFFFC000;
	s5 =	sadd.s32 s2, s5  }
0x5d: {  	[hbm4b:s5+s3] =	stream.linear.scatter [tilespmem:s12], [sflag:$0x8], $0x4000, $0x38;
	[tilespmem:$0x1E400] =	vst v63  }
.LBB2_8:
0x5e: {  	p0 =	seq.s32 s1, $0x19800  }
.Ltmp10:
0x5f: {  	_ = 	snop;
	(pc) =	sbr.rel @p0 .LBB2_20-.Ltmp10, $1  }
0x60: {  	_ =	sdelay $0x3  }
0x61: {  	_ =	swait.ge [sflag:s13], $0x4000  }
0x62: {  	s5 =	sshra.s32 s1, $0x2;
	s9 =	sadd.s32 $0x1, s29;
	[sflag:s13] =	ssyncset.done $0x0  }
0x63: {  	s7 =	sadd.s32 $0x80, s5;
	p1 =	sgt.u32 s9, $0xC7;
	[sflag:s13] =	ssyncadd.s32 $0xFFFFC000  }
0x64: {  	[tilespmem:s12], [sflag:$0x2] =	stream.indirect.gather [hbm4b:s4+s14], $0x80, s7, s14, $0xb8;
	[tilespmem:$0x1E400] =	vst v63  }
0x65: {  	s7 =	simm.s32 @!p1 $0x3  }
0x66: {  	_ =	swait.ge @!p1 [sflag:s7], $0x4000  }
0x67: {  	s8 =	sadd.s32 @!p1 $0xFFFF8000, s30;
	[sflag:s7] =	ssyncset.done @!p1 $0x0  }
0x68: {  	[sflag:s7] =	ssyncadd.s32 @!p1 $0xFFFFC000;
	s7 =	sshrl.u32 @!p1 s8, $0x3  }
0x69: {  	s9 =	simm.s32 @!p1 $0xE400;
	s8 =	simm.s32 @!p1 $0x0;
	s7 =	sadd.s32 @!p1 s2, s7  }
0x6a: {  	[hbm4b:s7+s8] =	stream.linear.scatter @!p1 [tilespmem:s9], [sflag:$0x9], $0x4000, $0x38;
	[tilespmem:$0x1E400] =	vst v63  }
0x6b: {  	p1 =	sgt.u32 s0, $0x20  }
.Ltmp11:
0x6c: {  	_ = 	snop;
	(pc) =	sbr.rel @p1 .LBB2_11-.Ltmp11, $1  }
0x6d: {  	_ =	sdelay $0x3  }
0x6e: {  	s9 =	sadd.s32 $0x2, s29  }
0x6f: {  	p2 =	slt.u32 s9, $0xC8  }
.Ltmp12:
0x70: {  	_ = 	snop;
	(pc) =	sbr.rel @p2 .LBB2_12-.Ltmp12, $4  }
.Ltmp13:
0x71: {  	_ =	swait.ge [sflag:s15], $0x4000;
	(pc) =	sbr.rel @!p2 .LBB2_13-.Ltmp13, $4  }
0x72: {  	[sflag:s15] =	ssyncset.done $0x0  }
0x73: {  	s5 =	sadd.s32 $0x100, s5;
	[sflag:s15] =	ssyncadd.s32 $0xFFFFC000  }
0x74: {  	[tilespmem:s16], [sflag:$0x3] =	stream.indirect.gather [hbm4b:s4+s14], $0x80, s5, s14, $0xb8;
	[tilespmem:$0x1E400] =	vst v63  }
0x75: {  	_ = 	snop  }
.LBB2_11:
0x76: {  	s5 =	sadd.s32 $0x2, s29  }
0x77: {  	p2 =	sgt.u32 s5, $0xC7  }
.Ltmp14:
0x78: {  	_ = 	snop;
	(pc) =	sbr.rel @p2 .LBB2_16-.Ltmp14, $1  }
0x79: {  	_ =	sdelay $0x3  }
.LBB2_12:
.Ltmp15:
0x7a: {  	(pc) =	sbr.rel @p1 .LBB2_16-.Ltmp15, $4  }
0x7b: {  	_ =	swait.ge [sflag:s17], $0x4000;
	s5 =	sadd.s32 $0xFFFFC000, s30  }
0x7c: {  	[sflag:s17] =	ssyncset.done $0x0;
	s5 =	sshrl.u32 s5, $0x3  }
0x7d: {  	[sflag:s17] =	ssyncadd.s32 $0xFFFFC000;
	s5 =	sadd.s32 s2, s5  }
0x7e: {  	[hbm4b:s5+s3] =	stream.linear.scatter [tilespmem:s18], [sflag:$0xA], $0x4000, $0x38;
	[tilespmem:$0x1E400] =	vst v63  }
.LBB2_13:
0x7f: {  	_ =	swait.ge [sflag:s19], $0x4000  }
0x80: {  	[sflag:s19] =	ssyncset.done $0x0  }
0x81: {  	[sflag:s19] =	ssyncadd.s32 $0xFFFFC000  }
.LBB2_14:
0x82: {  	s5 =	sshra.s32 s1, $0x2;
	s9 =	sadd.s32 $0x3, s29  }
0x83: {  	s7 =	sadd.s32 $0x180, s5;
	p0 =	slt.u32 s9, $0xC8  }
0x84: {  	[tilespmem:s18], [sflag:$0x4] =	stream.indirect.gather [hbm4b:s4+s14], $0x80, s7, s14, $0xb8;
	[tilespmem:$0x1E400] =	vst v63  }
0x85: {  	s7 =	simm.s32 @p0 $0x5  }
0x86: {  	_ =	swait.ge @p0 [sflag:s7], $0x4000  }
0x87: {  	[sflag:s7] =	ssyncset.done @p0 $0x0  }
0x88: {  	[sflag:s7] =	ssyncadd.s32 @p0 $0xFFFFC000;
	s7 =	sshrl.u32 @p0 s30, $0x3  }
0x89: {  	s8 =	simm.s32 @p0 $0x0;
	s9 =	simm.s32 @p0 $0x16400;
	s7 =	sadd.s32 @p0 s2, s7  }
0x8a: {  	[hbm4b:s7+s8] =	stream.linear.scatter @p0 [tilespmem:s9], [sflag:$0xB], $0x4000, $0x38;
	[tilespmem:$0x1E400] =	vst v63  }
0x8b: {  	p0 =	sne.s32 s1, $0x0  }
.Ltmp16:
0x8c: {  	_ = 	snop;
	(pc) =	sbr.rel @!p0 .LBB2_15-.Ltmp16, $2  }
0x8d: {  	_ =	sdelay $0x2  }
0x8e: {  	s7 =	sadd.s32 $0x200, s5  }
0x8f: {  	_ =	swait.ge [sflag:s21], $0x4000  }
0x90: {  	[sflag:s21] =	ssyncset.done $0x0  }
0x91: {  	p0 =	slt.u32 s0, $0x22;
	[sflag:s21] =	ssyncadd.s32 $0xFFFFC000  }
0x92: {  	[tilespmem:s23], [sflag:$0x5] =	stream.indirect.gather [hbm4b:s4+s14], $0x80, s7, s14, $0xb8;
	[tilespmem:$0x1E400] =	vst v63  }
0x93: {  	s7 =	simm.s32 @p0 $0x6  }
0x94: {  	_ =	swait.ge @p0 [sflag:s7], $0x4000  }
0x95: {  	s8 =	sadd.s32 @p0 $0x4000, s30;
	[sflag:s7] =	ssyncset.done @p0 $0x0  }
0x96: {  	[sflag:s7] =	ssyncadd.s32 @p0 $0xFFFFC000;
	s7 =	sshrl.u32 @p0 s8, $0x3  }
0x97: {  	s9 =	simm.s32 @p0 $0x1A400;
	s8 =	simm.s32 @p0 $0x0;
	s7 =	sadd.s32 @p0 s2, s7  }
0x98: {  	[hbm4b:s7+s8] =	stream.linear.scatter @p0 [tilespmem:s9], [sflag:$0xC], $0x4000, $0x38;
	[tilespmem:$0x1E400] =	vst v63  }
.Ltmp17:
0x99: {  	p1 =	seq.s32 @p0 s1, $0x0;
	(pc) =	sbr.rel .LBB2_18-.Ltmp17, $4  }
0x9a: {  	p0 =	por !p0, !p1  }
0x9b: {  	_ =	swait.ge @p0 [sflag:s22], $0x4000  }
0x9c: {  	[sflag:s22] =	ssyncset.done @p0 $0x0  }
0x9d: {  	[sflag:s22] =	ssyncadd.s32 @p0 $0xFFFFC000  }
.LBB2_15:
0x9e: {  	[tilespmem:s23], [sflag:$0x5] =	stream.indirect.gather [hbm4b:s4+s14], $0x80, s7, s14, $0xb8;
	[tilespmem:$0x1E400] =	vst v63  }
.LBB2_18:
.Ltmp18:
0x9f: {  	(pc) =	sbr.rel .LBB2_19-.Ltmp18, $3  }
0xa0: {  	_ =	sdelay $0x1  }
0xa1: {  	s5 =	sadd.s32 $0x280, s5  }
0xa2: {  	[tilespmem:s24], [sflag:$0x6] =	stream.indirect.gather [hbm4b:s4+s14], $0x80, s5, s14, $0xb8;
	[tilespmem:$0x1E400] =	vst v63  }
.LBB2_21:
0xa3: {  	_ =	sfence.sel $0x180000  }
0xa4: {  	[bflag:$0x0] =	sbarrier.arrive $0xFFFF  }
0xa5: {  	_ =	strace $0x90000047  }
0xa6: {  	s0 =	stileid.u32;
	[bflag:$0x2] =	sbarrier.arrive $0xFFFF  }
0xa7: {  	p0 =	sne.s32 s0, $0x0;
	s0 =	rddreg [dreg:$0x2]  }
0xa8: {  	s0 =	sadd.s32 @!p0 $0x100000, s0  }
0xa9: {  	[sflag:s0] =	ssyncadd.tile.s32 @!p0 $0x1;
	_ =	shalt  }
.Lfunc_end2:
_tile_overlayer_lowered:
.L_overlay_start_2:
0xaa: {  	(tag) =	ssettag $0x2  }
0xab: {  	s0 =	rddreg [dreg:$0x0];
	s2 =	stileid.u32  }
0xac: {  	s1 =	rddreg [dreg:$0x1];
	p0 =	sne.s32 s2, $0x0  }
0xad: {  	s3 =	rddreg [dreg:$0x2];
	[bflag:$0x3] =	sbarrier.arrive $0xFFFF;
	s2 =	simm.s32 @!p0 $0x1C0D  }
0xae: {  	[timem:s3], [sflag:s2] =	dma.local @!p0 [hbm:s0], s1  }
0xaf: {  	s0 =	simm.s32 @!p0 $0xD  }
0xb0: {  	_ =	swait.ge @!p0 [sflag:s0], s1  }
0xb1: {  	s1 =	ssub.s32 @!p0 $0x0, s1;
	[sflag:s0] =	ssyncset.done @!p0 $0x0  }
0xb2: {  	[sflag:s0] =	ssyncadd.s32 @!p0 s1  }
0xb3: {  	[bflag:$0x3] =	sbarrier.arrive $0xFFFF  }
0xb4: {  	_ =	shalt  }

</sc_bundles>
